<compile_context>
chip_gen: v7x
topology: tpu7x:2x2x1
jax: 0.10.2.dev20260603
libtpu: 0.0.44.dev20260713+nightly
codegen_flags: <defaults>
</compile_context>

<pallas_src>
import jax
import jax.numpy as jnp
from jax import lax
from jax.experimental import pallas as pl
from jax.experimental.pallas import tpu as pltpu
from jax.experimental.pallas import tpu_sc as plsc

D = 128
E = 320000
W = D // 2

NC = 2
NS = 16
L = 16
NW = NC * NS
EPW = E // NW
K = 80
NCHUNK = EPW // K
NGROUP = K // L

WUNROLL = 32


def _dot_chunk(u_buf, i_buf, out_v, out_base):
    iota = lax.iota(jnp.int32, L)
    rots = [jnp.bitwise_and(iota + k, L - 1) for k in range(L)]

    def group_body(g, _):
        e_ids = g * L + iota

        def w_step(t, carry):
            accs = list(carry[:4])
            wv = carry[4]
            wv2 = wv + L
            for k2 in range(WUNROLL // 2):
                ps = []
                for k in (2 * k2, 2 * k2 + 1):
                    wvk = (wv if k < L else wv2) + rots[k % L]
                    u = plsc.load_gather(u_buf, [e_ids, wvk])
                    v = plsc.load_gather(i_buf, [e_ids, wvk])
                    ps.append(plsc.bitcast(u, jnp.bfloat16) *
                              plsc.bitcast(v, jnp.bfloat16))
                p = ps[0] + ps[1]
                p_lo, p_hi = plsc.unpack(p, format=plsc.PackFormat.INTERLEAVED)
                accs[k2 % 2] = accs[k2 % 2] + p_lo
                accs[2 + k2 % 2] = accs[2 + k2 % 2] + p_hi
            return (*accs, wv + WUNROLL)

        zero = jnp.zeros((L,), jnp.float32)
        wv0 = jnp.zeros((L,), jnp.int32)
        carry = lax.fori_loop(0, W // WUNROLL, w_step, (zero,) * 4 + (wv0,))
        accs = carry[:4]
        out_v[pl.ds(out_base + g * L, L)] = (
            (accs[0] + accs[1]) + (accs[2] + accs[3]))
        return 0

    lax.fori_loop(0, NGROUP, group_body, 0)


def _sc_body(user_hbm, item_hbm, edge_hbm, out_hbm,
             idx_u, idx_i, out_v,
             u_a, i_a, u_b, i_b,
             sem_ua, sem_ia, sem_ub, sem_ib):
    wid = lax.axis_index("s") * NC + lax.axis_index("c")
    base = wid * EPW

    pltpu.sync_copy(edge_hbm.at[0, pl.ds(base, EPW)], idx_u)
    pltpu.sync_copy(edge_hbm.at[1, pl.ds(base, EPW)], idx_i)

    def fire(c, u_dst, i_dst, s_u, s_i):
        off = c * K
        pltpu.async_copy(user_hbm.at[idx_u.at[pl.ds(off, K)]], u_dst, s_u)
        pltpu.async_copy(item_hbm.at[idx_i.at[pl.ds(off, K)]], i_dst, s_i)

    def drain(u_dst, i_dst, s_u, s_i):
        pltpu.make_async_copy(user_hbm.at[idx_u.at[pl.ds(0, K)]], u_dst, s_u).wait()
        pltpu.make_async_copy(item_hbm.at[idx_i.at[pl.ds(0, K)]], i_dst, s_i).wait()

    fire(0, u_a, i_a, sem_ua, sem_ia)

    def pair_body(cc, _):
        a = cc * 2
        b = a + 1
        fire(b, u_b, i_b, sem_ub, sem_ib)
        drain(u_a, i_a, sem_ua, sem_ia)
        _dot_chunk(u_a, i_a, out_v, a * K)
        fire(a + 2, u_a, i_a, sem_ua, sem_ia)
        drain(u_b, i_b, sem_ub, sem_ib)
        _dot_chunk(u_b, i_b, out_v, b * K)
        return 0

    lax.fori_loop(0, (NCHUNK - 1) // 2, pair_body, 0)
    drain(u_a, i_a, sem_ua, sem_ia)
    _dot_chunk(u_a, i_a, out_v, (NCHUNK - 1) * K)

    pltpu.sync_copy(out_v, out_hbm.at[pl.ds(base, EPW)])


@jax.jit
def _run(user_pack, item_pack, edge_index):
    mesh = plsc.VectorSubcoreMesh(core_axis_name="c", subcore_axis_name="s")
    kern = pl.kernel(
        _sc_body,
        out_type=jax.ShapeDtypeStruct((E,), jnp.float32),
        mesh=mesh,
        compiler_params=pltpu.CompilerParams(needs_layout_passes=False,
                                             use_tc_tiling_on_sc=False),
        scratch_types=[
            pltpu.VMEM((EPW,), jnp.int32),
            pltpu.VMEM((EPW,), jnp.int32),
            pltpu.VMEM((EPW,), jnp.float32),
            pltpu.VMEM((K, W), jnp.int32),
            pltpu.VMEM((K, W), jnp.int32),
            pltpu.VMEM((K, W), jnp.int32),
            pltpu.VMEM((K, W), jnp.int32),
            pltpu.SemaphoreType.DMA,
            pltpu.SemaphoreType.DMA,
            pltpu.SemaphoreType.DMA,
            pltpu.SemaphoreType.DMA,
        ],
    )
    return kern(user_pack, item_pack, edge_index)


def _pack_bf16(table):
    x = lax.bitcast_convert_type(table, jnp.uint32)
    r = (x + 0x7FFF + ((x >> 16) & 1)) >> 16
    lo = r[:, :W]
    hi = r[:, W:]
    return lax.bitcast_convert_type(lo | (hi << 16), jnp.int32)


def kernel(user_embedding, item_embedding, edge_index):
    return _run(_pack_bf16(user_embedding), _pack_bf16(item_embedding),
                edge_index.astype(jnp.int32))

# --- scband reference (transcript-rebuilt; emitter-appended) ---
"""Pipeline reference for scband-recommendation-system-80015240725038 (READ-ONLY COPY).

The authoritative reference and input builder live on the scoring server;
editing this copy changes nothing except your own understanding.
"""

import jax, jax.numpy as jnp
import numpy as np

N_USER = 10000
N_ITEM = 10000
D = 128
E = 320000

def setup_inputs(seed: int = 0) -> dict:
    key = jax.random.key(seed)
    k1, k2, k3 = jax.random.split(key, 3)
    user_embedding = jax.random.normal(k1, (N_USER, D), dtype=jnp.float32)
    item_embedding = jax.random.normal(k2, (N_ITEM, D), dtype=jnp.float32)
    src = jax.random.randint(k3, (E,), 0, N_USER, dtype=jnp.int64)
    dst = jax.random.randint(jax.random.fold_in(k3, 1), (E,), 0, N_ITEM, dtype=jnp.int64)
    edge_index = jnp.stack([src, dst], axis=0)
    return {"user_embedding": user_embedding, "item_embedding": item_embedding, "edge_index": edge_index}

def reference(user_embedding, item_embedding, edge_index):
    # Faithful translation of Decoder.forward:
    #   user_embedding = batch_embedding_dict['user'][edge_index[0]]
    #   item_embedding = batch_embedding_dict['item'][edge_index[1]]
    #   return (user_embedding * item_embedding).sum(dim=-1)
    u = jnp.take(user_embedding, edge_index[0], axis=0)
    i = jnp.take(item_embedding, edge_index[1], axis=0)
    return (u * i).sum(axis=-1)

if __name__ == "__main__":
    import jax
    _d = setup_inputs()
    print(jax.jit(kernel)(*tuple(_d.values())))

</pallas_src>

<mosaic_0001>
#map = affine_map<(d0, d1) -> (0, 0)>
#map1 = affine_map<(d0, d1) -> (0)>
module attributes {stable_mosaic.version = 14 : i64} {
  func.func @_sc_body(%arg0: i32, %arg1: i32, %arg2: memref<10000x64xi32, #tpu.memory_space<hbm>>, %arg3: memref<10000x64xi32, #tpu.memory_space<hbm>>, %arg4: memref<2x320000xi32, #tpu.memory_space<hbm>>, %arg5: memref<320000xf32, #tpu.memory_space<hbm>>, %arg6: memref<10000xi32, #tpu.memory_space<vmem>>, %arg7: memref<10000xi32, #tpu.memory_space<vmem>>, %arg8: memref<10000xf32, #tpu.memory_space<vmem>>, %arg9: memref<80x64xi32, #tpu.memory_space<vmem>>, %arg10: memref<80x64xi32, #tpu.memory_space<vmem>>, %arg11: memref<80x64xi32, #tpu.memory_space<vmem>>, %arg12: memref<80x64xi32, #tpu.memory_space<vmem>>, %arg13: memref<!tpu.dma_semaphore, #tpu.memory_space<semaphore_mem>>, %arg14: memref<!tpu.dma_semaphore, #tpu.memory_space<semaphore_mem>>, %arg15: memref<!tpu.dma_semaphore, #tpu.memory_space<semaphore_mem>>, %arg16: memref<!tpu.dma_semaphore, #tpu.memory_space<semaphore_mem>>) attributes {dimension_semantics = [#tpu.dimension_semantics<core_parallel>, #tpu.dimension_semantics<subcore_parallel>], iteration_bounds = array<i64: 2, 16>, scalar_prefetch = 0 : i64, scratch_operands = 11 : i64, tpu.core_type = #tpu.core_type<sc_vector_subcore>, window_params = [{transform_indices = #map}, {transform_indices = #map}, {transform_indices = #map}, {transform_indices = #map1}]} {
    %mul3A = arith.constant 2 : i32
    %mul3A_0 = arith.muli %arg1, %mul3A : i32
    %add3A = arith.addi %mul3A_0, %arg0 : i32
    %mul3A_1 = arith.constant 10000 : i32
    %mul3A_2 = arith.muli %add3A, %mul3A_1 : i32
    %run_scoped3A = arith.constant 0 : i32
    "tpu.region"() ({
      %run_scoped3A_130 = tpu.sem_alloc : memref<!tpu.dma_semaphore, #tpu.memory_space<semaphore_mem>>
      %dma_start3A_131 = tpu.memref_slice %arg4[%run_scoped3A, %mul3A_2] : memref<2x320000xi32, #tpu.memory_space<hbm>> -> memref<1x10000xi32, #tpu.memory_space<hbm>>
      %dma_start3A_132 = tpu.memref_squeeze %dma_start3A_131 : memref<1x10000xi32, #tpu.memory_space<hbm>> -> memref<10000xi32, #tpu.memory_space<hbm>>
      %dma_start3A_133 = tpu.memref_slice %arg4[%run_scoped3A, %mul3A_2] : memref<2x320000xi32, #tpu.memory_space<hbm>> -> memref<1x10000xi32, #tpu.memory_space<hbm>>
      %dma_start3A_134 = tpu.memref_squeeze %dma_start3A_133 : memref<1x10000xi32, #tpu.memory_space<hbm>> -> memref<10000xi32, #tpu.memory_space<hbm>>
      tpu.enqueue_dma source(%dma_start3A_134 : memref<10000xi32, #tpu.memory_space<hbm>>) target(%arg6 : memref<10000xi32, #tpu.memory_space<vmem>>) target_semaphore(%run_scoped3A_130 : memref<!tpu.dma_semaphore, #tpu.memory_space<semaphore_mem>>)
      %dma_wait3A_135 = tpu.memref_slice %arg4[%run_scoped3A, %mul3A_2] : memref<2x320000xi32, #tpu.memory_space<hbm>> -> memref<1x10000xi32, #tpu.memory_space<hbm>>
      %dma_wait3A_136 = tpu.memref_squeeze %dma_wait3A_135 : memref<1x10000xi32, #tpu.memory_space<hbm>> -> memref<10000xi32, #tpu.memory_space<hbm>>
      %dma_wait3A_137 = tpu.memref_slice %arg4[%run_scoped3A, %mul3A_2] : memref<2x320000xi32, #tpu.memory_space<hbm>> -> memref<1x10000xi32, #tpu.memory_space<hbm>>
      %dma_wait3A_138 = tpu.memref_squeeze %dma_wait3A_137 : memref<1x10000xi32, #tpu.memory_space<hbm>> -> memref<10000xi32, #tpu.memory_space<hbm>>
      tpu.wait_dma2 semaphore(%run_scoped3A_130 : memref<!tpu.dma_semaphore, #tpu.memory_space<semaphore_mem>>) src(%dma_wait3A_138 : memref<10000xi32, #tpu.memory_space<hbm>>) dst(%arg6 : memref<10000xi32, #tpu.memory_space<vmem>>)
      tpu.yield
    }) : () -> ()
    %run_scoped3A_3 = arith.constant 1 : i32
    "tpu.region"() ({
      %run_scoped3A_130 = tpu.sem_alloc : memref<!tpu.dma_semaphore, #tpu.memory_space<semaphore_mem>>
      %dma_start3A_131 = tpu.memref_slice %arg4[%run_scoped3A_3, %mul3A_2] : memref<2x320000xi32, #tpu.memory_space<hbm>> -> memref<1x10000xi32, #tpu.memory_space<hbm>>
      %dma_start3A_132 = tpu.memref_squeeze %dma_start3A_131 : memref<1x10000xi32, #tpu.memory_space<hbm>> -> memref<10000xi32, #tpu.memory_space<hbm>>
      %dma_start3A_133 = tpu.memref_slice %arg4[%run_scoped3A_3, %mul3A_2] : memref<2x320000xi32, #tpu.memory_space<hbm>> -> memref<1x10000xi32, #tpu.memory_space<hbm>>
      %dma_start3A_134 = tpu.memref_squeeze %dma_start3A_133 : memref<1x10000xi32, #tpu.memory_space<hbm>> -> memref<10000xi32, #tpu.memory_space<hbm>>
      tpu.enqueue_dma source(%dma_start3A_134 : memref<10000xi32, #tpu.memory_space<hbm>>) target(%arg7 : memref<10000xi32, #tpu.memory_space<vmem>>) target_semaphore(%run_scoped3A_130 : memref<!tpu.dma_semaphore, #tpu.memory_space<semaphore_mem>>)
      %dma_wait3A_135 = tpu.memref_slice %arg4[%run_scoped3A_3, %mul3A_2] : memref<2x320000xi32, #tpu.memory_space<hbm>> -> memref<1x10000xi32, #tpu.memory_space<hbm>>
      %dma_wait3A_136 = tpu.memref_squeeze %dma_wait3A_135 : memref<1x10000xi32, #tpu.memory_space<hbm>> -> memref<10000xi32, #tpu.memory_space<hbm>>
      %dma_wait3A_137 = tpu.memref_slice %arg4[%run_scoped3A_3, %mul3A_2] : memref<2x320000xi32, #tpu.memory_space<hbm>> -> memref<1x10000xi32, #tpu.memory_space<hbm>>
      %dma_wait3A_138 = tpu.memref_squeeze %dma_wait3A_137 : memref<1x10000xi32, #tpu.memory_space<hbm>> -> memref<10000xi32, #tpu.memory_space<hbm>>
      tpu.wait_dma2 semaphore(%run_scoped3A_130 : memref<!tpu.dma_semaphore, #tpu.memory_space<semaphore_mem>>) src(%dma_wait3A_138 : memref<10000xi32, #tpu.memory_space<hbm>>) dst(%arg7 : memref<10000xi32, #tpu.memory_space<vmem>>)
      tpu.yield
    }) : () -> ()
    %dma_start3A = arith.constant 0 : i32
    %dma_start3A_4 = tpu.memref_slice %arg6[%dma_start3A] : memref<10000xi32, #tpu.memory_space<vmem>> -> memref<80xi32, #tpu.memory_space<vmem>>
    %dma_start3A_5 = arith.constant 0 : i32
    %dma_start3A_6 = arith.constant 0 : i32
    %dma_start3A_7 = tpu.memref_slice %arg2[%dma_start3A_5, %dma_start3A_6] : memref<10000x64xi32, #tpu.memory_space<hbm>> -> memref<10000x64xi32, #tpu.memory_space<hbm>>
    tpu.enqueue_indirect_dma source(%dma_start3A_7 : memref<10000x64xi32, #tpu.memory_space<hbm>>) target(%arg9 : memref<80x64xi32, #tpu.memory_space<vmem>>) offsets(%dma_start3A_4 : memref<80xi32, #tpu.memory_space<vmem>>) semaphore(%arg13 : memref<!tpu.dma_semaphore, #tpu.memory_space<semaphore_mem>>)
    %dma_start3A_8 = arith.constant 0 : i32
    %dma_start3A_9 = tpu.memref_slice %arg7[%dma_start3A_8] : memref<10000xi32, #tpu.memory_space<vmem>> -> memref<80xi32, #tpu.memory_space<vmem>>
    %dma_start3A_10 = arith.constant 0 : i32
    %dma_start3A_11 = arith.constant 0 : i32
    %dma_start3A_12 = tpu.memref_slice %arg3[%dma_start3A_10, %dma_start3A_11] : memref<10000x64xi32, #tpu.memory_space<hbm>> -> memref<10000x64xi32, #tpu.memory_space<hbm>>
    tpu.enqueue_indirect_dma source(%dma_start3A_12 : memref<10000x64xi32, #tpu.memory_space<hbm>>) target(%arg10 : memref<80x64xi32, #tpu.memory_space<vmem>>) offsets(%dma_start3A_9 : memref<80xi32, #tpu.memory_space<vmem>>) semaphore(%arg14 : memref<!tpu.dma_semaphore, #tpu.memory_space<semaphore_mem>>)
    %scan3A = arith.constant 0 : i32
    %scan3A_13 = arith.constant 0 : i32
    %scan3A_14 = arith.constant 62 : i32
    %scan3A_15 = arith.addi %scan3A_13, %scan3A_14 : i32
    %scan3A_16 = arith.constant 1 : i32
    %scan3A_17 = scf.for %scan3A_130 = %scan3A_13 to %scan3A_15 step %scan3A_16 iter_args(%scan3A_131 = %scan3A) -> (i32)  : i32 {
      %mul3A_132 = arith.constant 2 : i32
      %mul3A_133 = arith.muli %scan3A_130, %mul3A_132 : i32
      %add3A_134 = arith.constant 1 : i32
      %add3A_135 = arith.addi %mul3A_133, %add3A_134 : i32
      %mul3A_136 = arith.constant 80 : i32
      %mul3A_137 = arith.muli %add3A_135, %mul3A_136 : i32
      %dma_start3A_138 = tpu.memref_slice %arg6[%mul3A_137] : memref<10000xi32, #tpu.memory_space<vmem>> -> memref<80xi32, #tpu.memory_space<vmem>>
      %dma_start3A_139 = arith.constant 0 : i32
      %dma_start3A_140 = arith.constant 0 : i32
      %dma_start3A_141 = tpu.memref_slice %arg2[%dma_start3A_139, %dma_start3A_140] : memref<10000x64xi32, #tpu.memory_space<hbm>> -> memref<10000x64xi32, #tpu.memory_space<hbm>>
      tpu.enqueue_indirect_dma source(%dma_start3A_141 : memref<10000x64xi32, #tpu.memory_space<hbm>>) target(%arg11 : memref<80x64xi32, #tpu.memory_space<vmem>>) offsets(%dma_start3A_138 : memref<80xi32, #tpu.memory_space<vmem>>) semaphore(%arg15 : memref<!tpu.dma_semaphore, #tpu.memory_space<semaphore_mem>>)
      %dma_start3A_142 = tpu.memref_slice %arg7[%mul3A_137] : memref<10000xi32, #tpu.memory_space<vmem>> -> memref<80xi32, #tpu.memory_space<vmem>>
      %dma_start3A_143 = arith.constant 0 : i32
      %dma_start3A_144 = arith.constant 0 : i32
      %dma_start3A_145 = tpu.memref_slice %arg3[%dma_start3A_143, %dma_start3A_144] : memref<10000x64xi32, #tpu.memory_space<hbm>> -> memref<10000x64xi32, #tpu.memory_space<hbm>>
      tpu.enqueue_indirect_dma source(%dma_start3A_145 : memref<10000x64xi32, #tpu.memory_space<hbm>>) target(%arg12 : memref<80x64xi32, #tpu.memory_space<vmem>>) offsets(%dma_start3A_142 : memref<80xi32, #tpu.memory_space<vmem>>) semaphore(%arg16 : memref<!tpu.dma_semaphore, #tpu.memory_space<semaphore_mem>>)
      %dma_wait3A_146 = arith.constant 0 : i32
      %dma_wait3A_147 = tpu.memref_slice %arg6[%dma_wait3A_146] : memref<10000xi32, #tpu.memory_space<vmem>> -> memref<80xi32, #tpu.memory_space<vmem>>
      %dma_wait3A_148 = arith.constant 0 : i32
      %dma_wait3A_149 = arith.constant 0 : i32
      %dma_wait3A_150 = tpu.memref_slice %arg2[%dma_wait3A_148, %dma_wait3A_149] : memref<10000x64xi32, #tpu.memory_space<hbm>> -> memref<10000x64xi32, #tpu.memory_space<hbm>>
      tpu.wait_indirect_dma semaphore(%arg13 : memref<!tpu.dma_semaphore, #tpu.memory_space<semaphore_mem>>) src(%dma_wait3A_150 : memref<10000x64xi32, #tpu.memory_space<hbm>>) dst(%arg9 : memref<80x64xi32, #tpu.memory_space<vmem>>)
      %dma_wait3A_151 = arith.constant 0 : i32
      %dma_wait3A_152 = tpu.memref_slice %arg7[%dma_wait3A_151] : memref<10000xi32, #tpu.memory_space<vmem>> -> memref<80xi32, #tpu.memory_space<vmem>>
      %dma_wait3A_153 = arith.constant 0 : i32
      %dma_wait3A_154 = arith.constant 0 : i32
      %dma_wait3A_155 = tpu.memref_slice %arg3[%dma_wait3A_153, %dma_wait3A_154] : memref<10000x64xi32, #tpu.memory_space<hbm>> -> memref<10000x64xi32, #tpu.memory_space<hbm>>
      tpu.wait_indirect_dma semaphore(%arg14 : memref<!tpu.dma_semaphore, #tpu.memory_space<semaphore_mem>>) src(%dma_wait3A_155 : memref<10000x64xi32, #tpu.memory_space<hbm>>) dst(%arg10 : memref<80x64xi32, #tpu.memory_space<vmem>>)
      %mul3A_156 = arith.constant 80 : i32
      %mul3A_157 = arith.muli %mul3A_133, %mul3A_156 : i32
      %iota3A_158 = tpu.iota {dimensions = array<i32: 0>} : vector<16xi32>
      %add3A_159 = arith.constant 0 : i32
      %add3A_160 = vector.broadcast %add3A_159 : i32 to vector<16xi32>
      %add3A_161 = arith.addi %iota3A_158, %add3A_160 : vector<16xi32>
      %and3A_162 = arith.constant 15 : i32
      %and3A_163 = vector.broadcast %and3A_162 : i32 to vector<16xi32>
      %and3A_164 = arith.andi %add3A_161, %and3A_163 : vector<16xi32>
      %add3A_165 = arith.constant 1 : i32
      %add3A_166 = vector.broadcast %add3A_165 : i32 to vector<16xi32>
      %add3A_167 = arith.addi %iota3A_158, %add3A_166 : vector<16xi32>
      %and3A_168 = arith.constant 15 : i32
      %and3A_169 = vector.broadcast %and3A_168 : i32 to vector<16xi32>
      %and3A_170 = arith.andi %add3A_167, %and3A_169 : vector<16xi32>
      %add3A_171 = arith.constant 2 : i32
      %add3A_172 = vector.broadcast %add3A_171 : i32 to vector<16xi32>
      %add3A_173 = arith.addi %iota3A_158, %add3A_172 : vector<16xi32>
      %and3A_174 = arith.constant 15 : i32
      %and3A_175 = vector.broadcast %and3A_174 : i32 to vector<16xi32>
      %and3A_176 = arith.andi %add3A_173, %and3A_175 : vector<16xi32>
      %add3A_177 = arith.constant 3 : i32
      %add3A_178 = vector.broadcast %add3A_177 : i32 to vector<16xi32>
      %add3A_179 = arith.addi %iota3A_158, %add3A_178 : vector<16xi32>
      %and3A_180 = arith.constant 15 : i32
      %and3A_181 = vector.broadcast %and3A_180 : i32 to vector<16xi32>
      %and3A_182 = arith.andi %add3A_179, %and3A_181 : vector<16xi32>
      %add3A_183 = arith.constant 4 : i32
      %add3A_184 = vector.broadcast %add3A_183 : i32 to vector<16xi32>
      %add3A_185 = arith.addi %iota3A_158, %add3A_184 : vector<16xi32>
      %and3A_186 = arith.constant 15 : i32
      %and3A_187 = vector.broadcast %and3A_186 : i32 to vector<16xi32>
      %and3A_188 = arith.andi %add3A_185, %and3A_187 : vector<16xi32>
      %add3A_189 = arith.constant 5 : i32
      %add3A_190 = vector.broadcast %add3A_189 : i32 to vector<16xi32>
      %add3A_191 = arith.addi %iota3A_158, %add3A_190 : vector<16xi32>
      %and3A_192 = arith.constant 15 : i32
      %and3A_193 = vector.broadcast %and3A_192 : i32 to vector<16xi32>
      %and3A_194 = arith.andi %add3A_191, %and3A_193 : vector<16xi32>
      %add3A_195 = arith.constant 6 : i32
      %add3A_196 = vector.broadcast %add3A_195 : i32 to vector<16xi32>
      %add3A_197 = arith.addi %iota3A_158, %add3A_196 : vector<16xi32>
      %and3A_198 = arith.constant 15 : i32
      %and3A_199 = vector.broadcast %and3A_198 : i32 to vector<16xi32>
      %and3A_200 = arith.andi %add3A_197, %and3A_199 : vector<16xi32>
      %add3A_201 = arith.constant 7 : i32
      %add3A_202 = vector.broadcast %add3A_201 : i32 to vector<16xi32>
      %add3A_203 = arith.addi %iota3A_158, %add3A_202 : vector<16xi32>
      %and3A_204 = arith.constant 15 : i32
      %and3A_205 = vector.broadcast %and3A_204 : i32 to vector<16xi32>
      %and3A_206 = arith.andi %add3A_203, %and3A_205 : vector<16xi32>
      %add3A_207 = arith.constant 8 : i32
      %add3A_208 = vector.broadcast %add3A_207 : i32 to vector<16xi32>
      %add3A_209 = arith.addi %iota3A_158, %add3A_208 : vector<16xi32>
      %and3A_210 = arith.constant 15 : i32
      %and3A_211 = vector.broadcast %and3A_210 : i32 to vector<16xi32>
      %and3A_212 = arith.andi %add3A_209, %and3A_211 : vector<16xi32>
      %add3A_213 = arith.constant 9 : i32
      %add3A_214 = vector.broadcast %add3A_213 : i32 to vector<16xi32>
      %add3A_215 = arith.addi %iota3A_158, %add3A_214 : vector<16xi32>
      %and3A_216 = arith.constant 15 : i32
      %and3A_217 = vector.broadcast %and3A_216 : i32 to vector<16xi32>
      %and3A_218 = arith.andi %add3A_215, %and3A_217 : vector<16xi32>
      %add3A_219 = arith.constant 10 : i32
      %add3A_220 = vector.broadcast %add3A_219 : i32 to vector<16xi32>
      %add3A_221 = arith.addi %iota3A_158, %add3A_220 : vector<16xi32>
      %and3A_222 = arith.constant 15 : i32
      %and3A_223 = vector.broadcast %and3A_222 : i32 to vector<16xi32>
      %and3A_224 = arith.andi %add3A_221, %and3A_223 : vector<16xi32>
      %add3A_225 = arith.constant 11 : i32
      %add3A_226 = vector.broadcast %add3A_225 : i32 to vector<16xi32>
      %add3A_227 = arith.addi %iota3A_158, %add3A_226 : vector<16xi32>
      %and3A_228 = arith.constant 15 : i32
      %and3A_229 = vector.broadcast %and3A_228 : i32 to vector<16xi32>
      %and3A_230 = arith.andi %add3A_227, %and3A_229 : vector<16xi32>
      %add3A_231 = arith.constant 12 : i32
      %add3A_232 = vector.broadcast %add3A_231 : i32 to vector<16xi32>
      %add3A_233 = arith.addi %iota3A_158, %add3A_232 : vector<16xi32>
      %and3A_234 = arith.constant 15 : i32
      %and3A_235 = vector.broadcast %and3A_234 : i32 to vector<16xi32>
      %and3A_236 = arith.andi %add3A_233, %and3A_235 : vector<16xi32>
      %add3A_237 = arith.constant 13 : i32
      %add3A_238 = vector.broadcast %add3A_237 : i32 to vector<16xi32>
      %add3A_239 = arith.addi %iota3A_158, %add3A_238 : vector<16xi32>
      %and3A_240 = arith.constant 15 : i32
      %and3A_241 = vector.broadcast %and3A_240 : i32 to vector<16xi32>
      %and3A_242 = arith.andi %add3A_239, %and3A_241 : vector<16xi32>
      %add3A_243 = arith.constant 14 : i32
      %add3A_244 = vector.broadcast %add3A_243 : i32 to vector<16xi32>
      %add3A_245 = arith.addi %iota3A_158, %add3A_244 : vector<16xi32>
      %and3A_246 = arith.constant 15 : i32
      %and3A_247 = vector.broadcast %and3A_246 : i32 to vector<16xi32>
      %and3A_248 = arith.andi %add3A_245, %and3A_247 : vector<16xi32>
      %add3A_249 = arith.constant 15 : i32
      %add3A_250 = vector.broadcast %add3A_249 : i32 to vector<16xi32>
      %add3A_251 = arith.addi %iota3A_158, %add3A_250 : vector<16xi32>
      %and3A_252 = arith.constant 15 : i32
      %and3A_253 = vector.broadcast %and3A_252 : i32 to vector<16xi32>
      %and3A_254 = arith.andi %add3A_251, %and3A_253 : vector<16xi32>
      %scan3A_255 = arith.constant 0 : i32
      %scan3A_256 = arith.constant 0 : i32
      %scan3A_257 = arith.constant 5 : i32
      %scan3A_258 = arith.addi %scan3A_256, %scan3A_257 : i32
      %scan3A_259 = arith.constant 1 : i32
      %scan3A_260 = scf.for %scan3A_391 = %scan3A_256 to %scan3A_258 step %scan3A_259 iter_args(%scan3A_392 = %scan3A_255) -> (i32)  : i32 {
        %mul3A_393 = arith.constant 16 : i32
        %mul3A_394 = arith.muli %scan3A_391, %mul3A_393 : i32
        %add3A_395 = vector.broadcast %mul3A_394 : i32 to vector<16xi32>
        %add3A_396 = arith.addi %add3A_395, %iota3A_158 : vector<16xi32>
        %broadcast_in_dim3A = arith.constant 0.000000e+00 : f32
        %broadcast_in_dim3A_397 = vector.broadcast %broadcast_in_dim3A : f32 to vector<16xf32>
        %broadcast_in_dim3A_398 = arith.constant 0 : i32
        %broadcast_in_dim3A_399 = vector.broadcast %broadcast_in_dim3A_398 : i32 to vector<16xi32>
        %scan3A_400 = arith.constant 0 : i32
        %scan3A_401 = arith.constant 2 : i32
        %scan3A_402 = arith.addi %scan3A_400, %scan3A_401 : i32
        %scan3A_403 = arith.constant 1 : i32
        %scan3A_404:5 = scf.for %scan3A_414 = %scan3A_400 to %scan3A_402 step %scan3A_403 iter_args(%scan3A_415 = %broadcast_in_dim3A_397, %scan3A_416 = %broadcast_in_dim3A_397, %scan3A_417 = %broadcast_in_dim3A_397, %scan3A_418 = %broadcast_in_dim3A_397, %scan3A_419 = %broadcast_in_dim3A_399) -> (vector<16xf32>, vector<16xf32>, vector<16xf32>, vector<16xf32>, vector<16xi32>)  : i32 {
          %add3A_420 = arith.constant 16 : i32
          %add3A_421 = vector.broadcast %add3A_420 : i32 to vector<16xi32>
          %add3A_422 = arith.addi %scan3A_419, %add3A_421 : vector<16xi32>
          %add3A_423 = arith.addi %scan3A_419, %and3A_164 : vector<16xi32>
          %gather3A = tpu.vector_load_idx %arg9[%add3A_396, %add3A_423] : memref<80x64xi32, #tpu.memory_space<vmem>>[vector<16xi32>, vector<16xi32>], vector<16xi32>,
          %gather3A_424 = tpu.vector_load_idx %arg10[%add3A_396, %add3A_423] : memref<80x64xi32, #tpu.memory_space<vmem>>[vector<16xi32>, vector<16xi32>], vector<16xi32>,
          %bitcast3A = vector.bitcast %gather3A : vector<16xi32> to vector<32xbf16>
          %bitcast3A_425 = vector.bitcast %gather3A_424 : vector<16xi32> to vector<32xbf16>
          %mul3A_426 = arith.mulf %bitcast3A, %bitcast3A_425 : vector<32xbf16>
          %add3A_427 = arith.addi %scan3A_419, %and3A_170 : vector<16xi32>
          %gather3A_428 = tpu.vector_load_idx %arg9[%add3A_396, %add3A_427] : memref<80x64xi32, #tpu.memory_space<vmem>>[vector<16xi32>, vector<16xi32>], vector<16xi32>,
          %gather3A_429 = tpu.vector_load_idx %arg10[%add3A_396, %add3A_427] : memref<80x64xi32, #tpu.memory_space<vmem>>[vector<16xi32>, vector<16xi32>], vector<16xi32>,
          %bitcast3A_430 = vector.bitcast %gather3A_428 : vector<16xi32> to vector<32xbf16>
          %bitcast3A_431 = vector.bitcast %gather3A_429 : vector<16xi32> to vector<32xbf16>
          %mul3A_432 = arith.mulf %bitcast3A_430, %bitcast3A_431 : vector<32xbf16>
          %add3A_433 = arith.addf %mul3A_426, %mul3A_432 : vector<32xbf16>
          %unpack3A = tpu.unpack_subelements %add3A_433, 0 {pack_format = #tpu.pack_format<interleaved>} : vector<32xbf16> -> vector<16xf32>
          %unpack3A_434 = tpu.unpack_subelements %add3A_433, 1 {pack_format = #tpu.pack_format<interleaved>} : vector<32xbf16> -> vector<16xf32>
          %add3A_435 = arith.addf %scan3A_415, %unpack3A : vector<16xf32>
          %add3A_436 = arith.addf %scan3A_417, %unpack3A_434 : vector<16xf32>
          %add3A_437 = arith.addi %scan3A_419, %and3A_176 : vector<16xi32>
          %gather3A_438 = tpu.vector_load_idx %arg9[%add3A_396, %add3A_437] : memref<80x64xi32, #tpu.memory_space<vmem>>[vector<16xi32>, vector<16xi32>], vector<16xi32>,
          %gather3A_439 = tpu.vector_load_idx %arg10[%add3A_396, %add3A_437] : memref<80x64xi32, #tpu.memory_space<vmem>>[vector<16xi32>, vector<16xi32>], vector<16xi32>,
          %bitcast3A_440 = vector.bitcast %gather3A_438 : vector<16xi32> to vector<32xbf16>
          %bitcast3A_441 = vector.bitcast %gather3A_439 : vector<16xi32> to vector<32xbf16>
          %mul3A_442 = arith.mulf %bitcast3A_440, %bitcast3A_441 : vector<32xbf16>
          %add3A_443 = arith.addi %scan3A_419, %and3A_182 : vector<16xi32>
          %gather3A_444 = tpu.vector_load_idx %arg9[%add3A_396, %add3A_443] : memref<80x64xi32, #tpu.memory_space<vmem>>[vector<16xi32>, vector<16xi32>], vector<16xi32>,
          %gather3A_445 = tpu.vector_load_idx %arg10[%add3A_396, %add3A_443] : memref<80x64xi32, #tpu.memory_space<vmem>>[vector<16xi32>, vector<16xi32>], vector<16xi32>,
          %bitcast3A_446 = vector.bitcast %gather3A_444 : vector<16xi32> to vector<32xbf16>
          %bitcast3A_447 = vector.bitcast %gather3A_445 : vector<16xi32> to vector<32xbf16>
          %mul3A_448 = arith.mulf %bitcast3A_446, %bitcast3A_447 : vector<32xbf16>
          %add3A_449 = arith.addf %mul3A_442, %mul3A_448 : vector<32xbf16>
          %unpack3A_450 = tpu.unpack_subelements %add3A_449, 0 {pack_format = #tpu.pack_format<interleaved>} : vector<32xbf16> -> vector<16xf32>
          %unpack3A_451 = tpu.unpack_subelements %add3A_449, 1 {pack_format = #tpu.pack_format<interleaved>} : vector<32xbf16> -> vector<16xf32>
          %add3A_452 = arith.addf %scan3A_416, %unpack3A_450 : vector<16xf32>
          %add3A_453 = arith.addf %scan3A_418, %unpack3A_451 : vector<16xf32>
          %add3A_454 = arith.addi %scan3A_419, %and3A_188 : vector<16xi32>
          %gather3A_455 = tpu.vector_load_idx %arg9[%add3A_396, %add3A_454] : memref<80x64xi32, #tpu.memory_space<vmem>>[vector<16xi32>, vector<16xi32>], vector<16xi32>,
          %gather3A_456 = tpu.vector_load_idx %arg10[%add3A_396, %add3A_454] : memref<80x64xi32, #tpu.memory_space<vmem>>[vector<16xi32>, vector<16xi32>], vector<16xi32>,
          %bitcast3A_457 = vector.bitcast %gather3A_455 : vector<16xi32> to vector<32xbf16>
          %bitcast3A_458 = vector.bitcast %gather3A_456 : vector<16xi32> to vector<32xbf16>
          %mul3A_459 = arith.mulf %bitcast3A_457, %bitcast3A_458 : vector<32xbf16>
          %add3A_460 = arith.addi %scan3A_419, %and3A_194 : vector<16xi32>
          %gather3A_461 = tpu.vector_load_idx %arg9[%add3A_396, %add3A_460] : memref<80x64xi32, #tpu.memory_space<vmem>>[vector<16xi32>, vector<16xi32>], vector<16xi32>,
          %gather3A_462 = tpu.vector_load_idx %arg10[%add3A_396, %add3A_460] : memref<80x64xi32, #tpu.memory_space<vmem>>[vector<16xi32>, vector<16xi32>], vector<16xi32>,
          %bitcast3A_463 = vector.bitcast %gather3A_461 : vector<16xi32> to vector<32xbf16>
          %bitcast3A_464 = vector.bitcast %gather3A_462 : vector<16xi32> to vector<32xbf16>
          %mul3A_465 = arith.mulf %bitcast3A_463, %bitcast3A_464 : vector<32xbf16>
          %add3A_466 = arith.addf %mul3A_459, %mul3A_465 : vector<32xbf16>
          %unpack3A_467 = tpu.unpack_subelements %add3A_466, 0 {pack_format = #tpu.pack_format<interleaved>} : vector<32xbf16> -> vector<16xf32>
          %unpack3A_468 = tpu.unpack_subelements %add3A_466, 1 {pack_format = #tpu.pack_format<interleaved>} : vector<32xbf16> -> vector<16xf32>
          %add3A_469 = arith.addf %add3A_435, %unpack3A_467 : vector<16xf32>
          %add3A_470 = arith.addf %add3A_436, %unpack3A_468 : vector<16xf32>
          %add3A_471 = arith.addi %scan3A_419, %and3A_200 : vector<16xi32>
          %gather3A_472 = tpu.vector_load_idx %arg9[%add3A_396, %add3A_471] : memref<80x64xi32, #tpu.memory_space<vmem>>[vector<16xi32>, vector<16xi32>], vector<16xi32>,
          %gather3A_473 = tpu.vector_load_idx %arg10[%add3A_396, %add3A_471] : memref<80x64xi32, #tpu.memory_space<vmem>>[vector<16xi32>, vector<16xi32>], vector<16xi32>,
          %bitcast3A_474 = vector.bitcast %gather3A_472 : vector<16xi32> to vector<32xbf16>
          %bitcast3A_475 = vector.bitcast %gather3A_473 : vector<16xi32> to vector<32xbf16>
          %mul3A_476 = arith.mulf %bitcast3A_474, %bitcast3A_475 : vector<32xbf16>
          %add3A_477 = arith.addi %scan3A_419, %and3A_206 : vector<16xi32>
          %gather3A_478 = tpu.vector_load_idx %arg9[%add3A_396, %add3A_477] : memref<80x64xi32, #tpu.memory_space<vmem>>[vector<16xi32>, vector<16xi32>], vector<16xi32>,
          %gather3A_479 = tpu.vector_load_idx %arg10[%add3A_396, %add3A_477] : memref<80x64xi32, #tpu.memory_space<vmem>>[vector<16xi32>, vector<16xi32>], vector<16xi32>,
          %bitcast3A_480 = vector.bitcast %gather3A_478 : vector<16xi32> to vector<32xbf16>
          %bitcast3A_481 = vector.bitcast %gather3A_479 : vector<16xi32> to vector<32xbf16>
          %mul3A_482 = arith.mulf %bitcast3A_480, %bitcast3A_481 : vector<32xbf16>
          %add3A_483 = arith.addf %mul3A_476, %mul3A_482 : vector<32xbf16>
          %unpack3A_484 = tpu.unpack_subelements %add3A_483, 0 {pack_format = #tpu.pack_format<interleaved>} : vector<32xbf16> -> vector<16xf32>
          %unpack3A_485 = tpu.unpack_subelements %add3A_483, 1 {pack_format = #tpu.pack_format<interleaved>} : vector<32xbf16> -> vector<16xf32>
          %add3A_486 = arith.addf %add3A_452, %unpack3A_484 : vector<16xf32>
          %add3A_487 = arith.addf %add3A_453, %unpack3A_485 : vector<16xf32>
          %add3A_488 = arith.addi %scan3A_419, %and3A_212 : vector<16xi32>
          %gather3A_489 = tpu.vector_load_idx %arg9[%add3A_396, %add3A_488] : memref<80x64xi32, #tpu.memory_space<vmem>>[vector<16xi32>, vector<16xi32>], vector<16xi32>,
          %gather3A_490 = tpu.vector_load_idx %arg10[%add3A_396, %add3A_488] : memref<80x64xi32, #tpu.memory_space<vmem>>[vector<16xi32>, vector<16xi32>], vector<16xi32>,
          %bitcast3A_491 = vector.bitcast %gather3A_489 : vector<16xi32> to vector<32xbf16>
          %bitcast3A_492 = vector.bitcast %gather3A_490 : vector<16xi32> to vector<32xbf16>
          %mul3A_493 = arith.mulf %bitcast3A_491, %bitcast3A_492 : vector<32xbf16>
          %add3A_494 = arith.addi %scan3A_419, %and3A_218 : vector<16xi32>
          %gather3A_495 = tpu.vector_load_idx %arg9[%add3A_396, %add3A_494] : memref<80x64xi32, #tpu.memory_space<vmem>>[vector<16xi32>, vector<16xi32>], vector<16xi32>,
          %gather3A_496 = tpu.vector_load_idx %arg10[%add3A_396, %add3A_494] : memref<80x64xi32, #tpu.memory_space<vmem>>[vector<16xi32>, vector<16xi32>], vector<16xi32>,
          %bitcast3A_497 = vector.bitcast %gather3A_495 : vector<16xi32> to vector<32xbf16>
          %bitcast3A_498 = vector.bitcast %gather3A_496 : vector<16xi32> to vector<32xbf16>
          %mul3A_499 = arith.mulf %bitcast3A_497, %bitcast3A_498 : vector<32xbf16>
          %add3A_500 = arith.addf %mul3A_493, %mul3A_499 : vector<32xbf16>
          %unpack3A_501 = tpu.unpack_subelements %add3A_500, 0 {pack_format = #tpu.pack_format<interleaved>} : vector<32xbf16> -> vector<16xf32>
          %unpack3A_502 = tpu.unpack_subelements %add3A_500, 1 {pack_format = #tpu.pack_format<interleaved>} : vector<32xbf16> -> vector<16xf32>
          %add3A_503 = arith.addf %add3A_469, %unpack3A_501 : vector<16xf32>
          %add3A_504 = arith.addf %add3A_470, %unpack3A_502 : vector<16xf32>
          %add3A_505 = arith.addi %scan3A_419, %and3A_224 : vector<16xi32>
          %gather3A_506 = tpu.vector_load_idx %arg9[%add3A_396, %add3A_505] : memref<80x64xi32, #tpu.memory_space<vmem>>[vector<16xi32>, vector<16xi32>], vector<16xi32>,
          %gather3A_507 = tpu.vector_load_idx %arg10[%add3A_396, %add3A_505] : memref<80x64xi32, #tpu.memory_space<vmem>>[vector<16xi32>, vector<16xi32>], vector<16xi32>,
          %bitcast3A_508 = vector.bitcast %gather3A_506 : vector<16xi32> to vector<32xbf16>
          %bitcast3A_509 = vector.bitcast %gather3A_507 : vector<16xi32> to vector<32xbf16>
          %mul3A_510 = arith.mulf %bitcast3A_508, %bitcast3A_509 : vector<32xbf16>
          %add3A_511 = arith.addi %scan3A_419, %and3A_230 : vector<16xi32>
          %gather3A_512 = tpu.vector_load_idx %arg9[%add3A_396, %add3A_511] : memref<80x64xi32, #tpu.memory_space<vmem>>[vector<16xi32>, vector<16xi32>], vector<16xi32>,
          %gather3A_513 = tpu.vector_load_idx %arg10[%add3A_396, %add3A_511] : memref<80x64xi32, #tpu.memory_space<vmem>>[vector<16xi32>, vector<16xi32>], vector<16xi32>,
          %bitcast3A_514 = vector.bitcast %gather3A_512 : vector<16xi32> to vector<32xbf16>
          %bitcast3A_515 = vector.bitcast %gather3A_513 : vector<16xi32> to vector<32xbf16>
          %mul3A_516 = arith.mulf %bitcast3A_514, %bitcast3A_515 : vector<32xbf16>
          %add3A_517 = arith.addf %mul3A_510, %mul3A_516 : vector<32xbf16>
          %unpack3A_518 = tpu.unpack_subelements %add3A_517, 0 {pack_format = #tpu.pack_format<interleaved>} : vector<32xbf16> -> vector<16xf32>
          %unpack3A_519 = tpu.unpack_subelements %add3A_517, 1 {pack_format = #tpu.pack_format<interleaved>} : vector<32xbf16> -> vector<16xf32>
          %add3A_520 = arith.addf %add3A_486, %unpack3A_518 : vector<16xf32>
          %add3A_521 = arith.addf %add3A_487, %unpack3A_519 : vector<16xf32>
          %add3A_522 = arith.addi %scan3A_419, %and3A_236 : vector<16xi32>
          %gather3A_523 = tpu.vector_load_idx %arg9[%add3A_396, %add3A_522] : memref<80x64xi32, #tpu.memory_space<vmem>>[vector<16xi32>, vector<16xi32>], vector<16xi32>,
          %gather3A_524 = tpu.vector_load_idx %arg10[%add3A_396, %add3A_522] : memref<80x64xi32, #tpu.memory_space<vmem>>[vector<16xi32>, vector<16xi32>], vector<16xi32>,
          %bitcast3A_525 = vector.bitcast %gather3A_523 : vector<16xi32> to vector<32xbf16>
          %bitcast3A_526 = vector.bitcast %gather3A_524 : vector<16xi32> to vector<32xbf16>
          %mul3A_527 = arith.mulf %bitcast3A_525, %bitcast3A_526 : vector<32xbf16>
          %add3A_528 = arith.addi %scan3A_419, %and3A_242 : vector<16xi32>
          %gather3A_529 = tpu.vector_load_idx %arg9[%add3A_396, %add3A_528] : memref<80x64xi32, #tpu.memory_space<vmem>>[vector<16xi32>, vector<16xi32>], vector<16xi32>,
          %gather3A_530 = tpu.vector_load_idx %arg10[%add3A_396, %add3A_528] : memref<80x64xi32, #tpu.memory_space<vmem>>[vector<16xi32>, vector<16xi32>], vector<16xi32>,
          %bitcast3A_531 = vector.bitcast %gather3A_529 : vector<16xi32> to vector<32xbf16>
          %bitcast3A_532 = vector.bitcast %gather3A_530 : vector<16xi32> to vector<32xbf16>
          %mul3A_533 = arith.mulf %bitcast3A_531, %bitcast3A_532 : vector<32xbf16>
          %add3A_534 = arith.addf %mul3A_527, %mul3A_533 : vector<32xbf16>
          %unpack3A_535 = tpu.unpack_subelements %add3A_534, 0 {pack_format = #tpu.pack_format<interleaved>} : vector<32xbf16> -> vector<16xf32>
          %unpack3A_536 = tpu.unpack_subelements %add3A_534, 1 {pack_format = #tpu.pack_format<interleaved>} : vector<32xbf16> -> vector<16xf32>
          %add3A_537 = arith.addf %add3A_503, %unpack3A_535 : vector<16xf32>
          %add3A_538 = arith.addf %add3A_504, %unpack3A_536 : vector<16xf32>
          %add3A_539 = arith.addi %scan3A_419, %and3A_248 : vector<16xi32>
          %gather3A_540 = tpu.vector_load_idx %arg9[%add3A_396, %add3A_539] : memref<80x64xi32, #tpu.memory_space<vmem>>[vector<16xi32>, vector<16xi32>], vector<16xi32>,
          %gather3A_541 = tpu.vector_load_idx %arg10[%add3A_396, %add3A_539] : memref<80x64xi32, #tpu.memory_space<vmem>>[vector<16xi32>, vector<16xi32>], vector<16xi32>,
          %bitcast3A_542 = vector.bitcast %gather3A_540 : vector<16xi32> to vector<32xbf16>
          %bitcast3A_543 = vector.bitcast %gather3A_541 : vector<16xi32> to vector<32xbf16>
          %mul3A_544 = arith.mulf %bitcast3A_542, %bitcast3A_543 : vector<32xbf16>
          %add3A_545 = arith.addi %scan3A_419, %and3A_254 : vector<16xi32>
          %gather3A_546 = tpu.vector_load_idx %arg9[%add3A_396, %add3A_545] : memref<80x64xi32, #tpu.memory_space<vmem>>[vector<16xi32>, vector<16xi32>], vector<16xi32>,
          %gather3A_547 = tpu.vector_load_idx %arg10[%add3A_396, %add3A_545] : memref<80x64xi32, #tpu.memory_space<vmem>>[vector<16xi32>, vector<16xi32>], vector<16xi32>,
          %bitcast3A_548 = vector.bitcast %gather3A_546 : vector<16xi32> to vector<32xbf16>
          %bitcast3A_549 = vector.bitcast %gather3A_547 : vector<16xi32> to vector<32xbf16>
          %mul3A_550 = arith.mulf %bitcast3A_548, %bitcast3A_549 : vector<32xbf16>
          %add3A_551 = arith.addf %mul3A_544, %mul3A_550 : vector<32xbf16>
          %unpack3A_552 = tpu.unpack_subelements %add3A_551, 0 {pack_format = #tpu.pack_format<interleaved>} : vector<32xbf16> -> vector<16xf32>
          %unpack3A_553 = tpu.unpack_subelements %add3A_551, 1 {pack_format = #tpu.pack_format<interleaved>} : vector<32xbf16> -> vector<16xf32>
          %add3A_554 = arith.addf %add3A_520, %unpack3A_552 : vector<16xf32>
          %add3A_555 = arith.addf %add3A_521, %unpack3A_553 : vector<16xf32>
          %add3A_556 = arith.addi %add3A_422, %and3A_164 : vector<16xi32>
          %gather3A_557 = tpu.vector_load_idx %arg9[%add3A_396, %add3A_556] : memref<80x64xi32, #tpu.memory_space<vmem>>[vector<16xi32>, vector<16xi32>], vector<16xi32>,
          %gather3A_558 = tpu.vector_load_idx %arg10[%add3A_396, %add3A_556] : memref<80x64xi32, #tpu.memory_space<vmem>>[vector<16xi32>, vector<16xi32>], vector<16xi32>,
          %bitcast3A_559 = vector.bitcast %gather3A_557 : vector<16xi32> to vector<32xbf16>
          %bitcast3A_560 = vector.bitcast %gather3A_558 : vector<16xi32> to vector<32xbf16>
          %mul3A_561 = arith.mulf %bitcast3A_559, %bitcast3A_560 : vector<32xbf16>
          %add3A_562 = arith.addi %add3A_422, %and3A_170 : vector<16xi32>
          %gather3A_563 = tpu.vector_load_idx %arg9[%add3A_396, %add3A_562] : memref<80x64xi32, #tpu.memory_space<vmem>>[vector<16xi32>, vector<16xi32>], vector<16xi32>,
          %gather3A_564 = tpu.vector_load_idx %arg10[%add3A_396, %add3A_562] : memref<80x64xi32, #tpu.memory_space<vmem>>[vector<16xi32>, vector<16xi32>], vector<16xi32>,
          %bitcast3A_565 = vector.bitcast %gather3A_563 : vector<16xi32> to vector<32xbf16>
          %bitcast3A_566 = vector.bitcast %gather3A_564 : vector<16xi32> to vector<32xbf16>
          %mul3A_567 = arith.mulf %bitcast3A_565, %bitcast3A_566 : vector<32xbf16>
          %add3A_568 = arith.addf %mul3A_561, %mul3A_567 : vector<32xbf16>
          %unpack3A_569 = tpu.unpack_subelements %add3A_568, 0 {pack_format = #tpu.pack_format<interleaved>} : vector<32xbf16> -> vector<16xf32>
          %unpack3A_570 = tpu.unpack_subelements %add3A_568, 1 {pack_format = #tpu.pack_format<interleaved>} : vector<32xbf16> -> vector<16xf32>
          %add3A_571 = arith.addf %add3A_537, %unpack3A_569 : vector<16xf32>
          %add3A_572 = arith.addf %add3A_538, %unpack3A_570 : vector<16xf32>
          %add3A_573 = arith.addi %add3A_422, %and3A_176 : vector<16xi32>
          %gather3A_574 = tpu.vector_load_idx %arg9[%add3A_396, %add3A_573] : memref<80x64xi32, #tpu.memory_space<vmem>>[vector<16xi32>, vector<16xi32>], vector<16xi32>,
          %gather3A_575 = tpu.vector_load_idx %arg10[%add3A_396, %add3A_573] : memref<80x64xi32, #tpu.memory_space<vmem>>[vector<16xi32>, vector<16xi32>], vector<16xi32>,
          %bitcast3A_576 = vector.bitcast %gather3A_574 : vector<16xi32> to vector<32xbf16>
          %bitcast3A_577 = vector.bitcast %gather3A_575 : vector<16xi32> to vector<32xbf16>
          %mul3A_578 = arith.mulf %bitcast3A_576, %bitcast3A_577 : vector<32xbf16>
          %add3A_579 = arith.addi %add3A_422, %and3A_182 : vector<16xi32>
          %gather3A_580 = tpu.vector_load_idx %arg9[%add3A_396, %add3A_579] : memref<80x64xi32, #tpu.memory_space<vmem>>[vector<16xi32>, vector<16xi32>], vector<16xi32>,
          %gather3A_581 = tpu.vector_load_idx %arg10[%add3A_396, %add3A_579] : memref<80x64xi32, #tpu.memory_space<vmem>>[vector<16xi32>, vector<16xi32>], vector<16xi32>,
          %bitcast3A_582 = vector.bitcast %gather3A_580 : vector<16xi32> to vector<32xbf16>
          %bitcast3A_583 = vector.bitcast %gather3A_581 : vector<16xi32> to vector<32xbf16>
          %mul3A_584 = arith.mulf %bitcast3A_582, %bitcast3A_583 : vector<32xbf16>
          %add3A_585 = arith.addf %mul3A_578, %mul3A_584 : vector<32xbf16>
          %unpack3A_586 = tpu.unpack_subelements %add3A_585, 0 {pack_format = #tpu.pack_format<interleaved>} : vector<32xbf16> -> vector<16xf32>
          %unpack3A_587 = tpu.unpack_subelements %add3A_585, 1 {pack_format = #tpu.pack_format<interleaved>} : vector<32xbf16> -> vector<16xf32>
          %add3A_588 = arith.addf %add3A_554, %unpack3A_586 : vector<16xf32>
          %add3A_589 = arith.addf %add3A_555, %unpack3A_587 : vector<16xf32>
          %add3A_590 = arith.addi %add3A_422, %and3A_188 : vector<16xi32>
          %gather3A_591 = tpu.vector_load_idx %arg9[%add3A_396, %add3A_590] : memref<80x64xi32, #tpu.memory_space<vmem>>[vector<16xi32>, vector<16xi32>], vector<16xi32>,
          %gather3A_592 = tpu.vector_load_idx %arg10[%add3A_396, %add3A_590] : memref<80x64xi32, #tpu.memory_space<vmem>>[vector<16xi32>, vector<16xi32>], vector<16xi32>,
          %bitcast3A_593 = vector.bitcast %gather3A_591 : vector<16xi32> to vector<32xbf16>
          %bitcast3A_594 = vector.bitcast %gather3A_592 : vector<16xi32> to vector<32xbf16>
          %mul3A_595 = arith.mulf %bitcast3A_593, %bitcast3A_594 : vector<32xbf16>
          %add3A_596 = arith.addi %add3A_422, %and3A_194 : vector<16xi32>
          %gather3A_597 = tpu.vector_load_idx %arg9[%add3A_396, %add3A_596] : memref<80x64xi32, #tpu.memory_space<vmem>>[vector<16xi32>, vector<16xi32>], vector<16xi32>,
          %gather3A_598 = tpu.vector_load_idx %arg10[%add3A_396, %add3A_596] : memref<80x64xi32, #tpu.memory_space<vmem>>[vector<16xi32>, vector<16xi32>], vector<16xi32>,
          %bitcast3A_599 = vector.bitcast %gather3A_597 : vector<16xi32> to vector<32xbf16>
          %bitcast3A_600 = vector.bitcast %gather3A_598 : vector<16xi32> to vector<32xbf16>
          %mul3A_601 = arith.mulf %bitcast3A_599, %bitcast3A_600 : vector<32xbf16>
          %add3A_602 = arith.addf %mul3A_595, %mul3A_601 : vector<32xbf16>
          %unpack3A_603 = tpu.unpack_subelements %add3A_602, 0 {pack_format = #tpu.pack_format<interleaved>} : vector<32xbf16> -> vector<16xf32>
          %unpack3A_604 = tpu.unpack_subelements %add3A_602, 1 {pack_format = #tpu.pack_format<interleaved>} : vector<32xbf16> -> vector<16xf32>
          %add3A_605 = arith.addf %add3A_571, %unpack3A_603 : vector<16xf32>
          %add3A_606 = arith.addf %add3A_572, %unpack3A_604 : vector<16xf32>
          %add3A_607 = arith.addi %add3A_422, %and3A_200 : vector<16xi32>
          %gather3A_608 = tpu.vector_load_idx %arg9[%add3A_396, %add3A_607] : memref<80x64xi32, #tpu.memory_space<vmem>>[vector<16xi32>, vector<16xi32>], vector<16xi32>,
          %gather3A_609 = tpu.vector_load_idx %arg10[%add3A_396, %add3A_607] : memref<80x64xi32, #tpu.memory_space<vmem>>[vector<16xi32>, vector<16xi32>], vector<16xi32>,
          %bitcast3A_610 = vector.bitcast %gather3A_608 : vector<16xi32> to vector<32xbf16>
          %bitcast3A_611 = vector.bitcast %gather3A_609 : vector<16xi32> to vector<32xbf16>
          %mul3A_612 = arith.mulf %bitcast3A_610, %bitcast3A_611 : vector<32xbf16>
          %add3A_613 = arith.addi %add3A_422, %and3A_206 : vector<16xi32>
          %gather3A_614 = tpu.vector_load_idx %arg9[%add3A_396, %add3A_613] : memref<80x64xi32, #tpu.memory_space<vmem>>[vector<16xi32>, vector<16xi32>], vector<16xi32>,
          %gather3A_615 = tpu.vector_load_idx %arg10[%add3A_396, %add3A_613] : memref<80x64xi32, #tpu.memory_space<vmem>>[vector<16xi32>, vector<16xi32>], vector<16xi32>,
          %bitcast3A_616 = vector.bitcast %gather3A_614 : vector<16xi32> to vector<32xbf16>
          %bitcast3A_617 = vector.bitcast %gather3A_615 : vector<16xi32> to vector<32xbf16>
          %mul3A_618 = arith.mulf %bitcast3A_616, %bitcast3A_617 : vector<32xbf16>
          %add3A_619 = arith.addf %mul3A_612, %mul3A_618 : vector<32xbf16>
          %unpack3A_620 = tpu.unpack_subelements %add3A_619, 0 {pack_format = #tpu.pack_format<interleaved>} : vector<32xbf16> -> vector<16xf32>
          %unpack3A_621 = tpu.unpack_subelements %add3A_619, 1 {pack_format = #tpu.pack_format<interleaved>} : vector<32xbf16> -> vector<16xf32>
          %add3A_622 = arith.addf %add3A_588, %unpack3A_620 : vector<16xf32>
          %add3A_623 = arith.addf %add3A_589, %unpack3A_621 : vector<16xf32>
          %add3A_624 = arith.addi %add3A_422, %and3A_212 : vector<16xi32>
          %gather3A_625 = tpu.vector_load_idx %arg9[%add3A_396, %add3A_624] : memref<80x64xi32, #tpu.memory_space<vmem>>[vector<16xi32>, vector<16xi32>], vector<16xi32>,
          %gather3A_626 = tpu.vector_load_idx %arg10[%add3A_396, %add3A_624] : memref<80x64xi32, #tpu.memory_space<vmem>>[vector<16xi32>, vector<16xi32>], vector<16xi32>,
          %bitcast3A_627 = vector.bitcast %gather3A_625 : vector<16xi32> to vector<32xbf16>
          %bitcast3A_628 = vector.bitcast %gather3A_626 : vector<16xi32> to vector<32xbf16>
          %mul3A_629 = arith.mulf %bitcast3A_627, %bitcast3A_628 : vector<32xbf16>
          %add3A_630 = arith.addi %add3A_422, %and3A_218 : vector<16xi32>
          %gather3A_631 = tpu.vector_load_idx %arg9[%add3A_396, %add3A_630] : memref<80x64xi32, #tpu.memory_space<vmem>>[vector<16xi32>, vector<16xi32>], vector<16xi32>,
          %gather3A_632 = tpu.vector_load_idx %arg10[%add3A_396, %add3A_630] : memref<80x64xi32, #tpu.memory_space<vmem>>[vector<16xi32>, vector<16xi32>], vector<16xi32>,
          %bitcast3A_633 = vector.bitcast %gather3A_631 : vector<16xi32> to vector<32xbf16>
          %bitcast3A_634 = vector.bitcast %gather3A_632 : vector<16xi32> to vector<32xbf16>
          %mul3A_635 = arith.mulf %bitcast3A_633, %bitcast3A_634 : vector<32xbf16>
          %add3A_636 = arith.addf %mul3A_629, %mul3A_635 : vector<32xbf16>
          %unpack3A_637 = tpu.unpack_subelements %add3A_636, 0 {pack_format = #tpu.pack_format<interleaved>} : vector<32xbf16> -> vector<16xf32>
          %unpack3A_638 = tpu.unpack_subelements %add3A_636, 1 {pack_format = #tpu.pack_format<interleaved>} : vector<32xbf16> -> vector<16xf32>
          %add3A_639 = arith.addf %add3A_605, %unpack3A_637 : vector<16xf32>
          %add3A_640 = arith.addf %add3A_606, %unpack3A_638 : vector<16xf32>
          %add3A_641 = arith.addi %add3A_422, %and3A_224 : vector<16xi32>
          %gather3A_642 = tpu.vector_load_idx %arg9[%add3A_396, %add3A_641] : memref<80x64xi32, #tpu.memory_space<vmem>>[vector<16xi32>, vector<16xi32>], vector<16xi32>,
          %gather3A_643 = tpu.vector_load_idx %arg10[%add3A_396, %add3A_641] : memref<80x64xi32, #tpu.memory_space<vmem>>[vector<16xi32>, vector<16xi32>], vector<16xi32>,
          %bitcast3A_644 = vector.bitcast %gather3A_642 : vector<16xi32> to vector<32xbf16>
          %bitcast3A_645 = vector.bitcast %gather3A_643 : vector<16xi32> to vector<32xbf16>
          %mul3A_646 = arith.mulf %bitcast3A_644, %bitcast3A_645 : vector<32xbf16>
          %add3A_647 = arith.addi %add3A_422, %and3A_230 : vector<16xi32>
          %gather3A_648 = tpu.vector_load_idx %arg9[%add3A_396, %add3A_647] : memref<80x64xi32, #tpu.memory_space<vmem>>[vector<16xi32>, vector<16xi32>], vector<16xi32>,
          %gather3A_649 = tpu.vector_load_idx %arg10[%add3A_396, %add3A_647] : memref<80x64xi32, #tpu.memory_space<vmem>>[vector<16xi32>, vector<16xi32>], vector<16xi32>,
          %bitcast3A_650 = vector.bitcast %gather3A_648 : vector<16xi32> to vector<32xbf16>
          %bitcast3A_651 = vector.bitcast %gather3A_649 : vector<16xi32> to vector<32xbf16>
          %mul3A_652 = arith.mulf %bitcast3A_650, %bitcast3A_651 : vector<32xbf16>
          %add3A_653 = arith.addf %mul3A_646, %mul3A_652 : vector<32xbf16>
          %unpack3A_654 = tpu.unpack_subelements %add3A_653, 0 {pack_format = #tpu.pack_format<interleaved>} : vector<32xbf16> -> vector<16xf32>
          %unpack3A_655 = tpu.unpack_subelements %add3A_653, 1 {pack_format = #tpu.pack_format<interleaved>} : vector<32xbf16> -> vector<16xf32>
          %add3A_656 = arith.addf %add3A_622, %unpack3A_654 : vector<16xf32>
          %add3A_657 = arith.addf %add3A_623, %unpack3A_655 : vector<16xf32>
          %add3A_658 = arith.addi %add3A_422, %and3A_236 : vector<16xi32>
          %gather3A_659 = tpu.vector_load_idx %arg9[%add3A_396, %add3A_658] : memref<80x64xi32, #tpu.memory_space<vmem>>[vector<16xi32>, vector<16xi32>], vector<16xi32>,
          %gather3A_660 = tpu.vector_load_idx %arg10[%add3A_396, %add3A_658] : memref<80x64xi32, #tpu.memory_space<vmem>>[vector<16xi32>, vector<16xi32>], vector<16xi32>,
          %bitcast3A_661 = vector.bitcast %gather3A_659 : vector<16xi32> to vector<32xbf16>
          %bitcast3A_662 = vector.bitcast %gather3A_660 : vector<16xi32> to vector<32xbf16>
          %mul3A_663 = arith.mulf %bitcast3A_661, %bitcast3A_662 : vector<32xbf16>
          %add3A_664 = arith.addi %add3A_422, %and3A_242 : vector<16xi32>
          %gather3A_665 = tpu.vector_load_idx %arg9[%add3A_396, %add3A_664] : memref<80x64xi32, #tpu.memory_space<vmem>>[vector<16xi32>, vector<16xi32>], vector<16xi32>,
          %gather3A_666 = tpu.vector_load_idx %arg10[%add3A_396, %add3A_664] : memref<80x64xi32, #tpu.memory_space<vmem>>[vector<16xi32>, vector<16xi32>], vector<16xi32>,
          %bitcast3A_667 = vector.bitcast %gather3A_665 : vector<16xi32> to vector<32xbf16>
          %bitcast3A_668 = vector.bitcast %gather3A_666 : vector<16xi32> to vector<32xbf16>
          %mul3A_669 = arith.mulf %bitcast3A_667, %bitcast3A_668 : vector<32xbf16>
          %add3A_670 = arith.addf %mul3A_663, %mul3A_669 : vector<32xbf16>
          %unpack3A_671 = tpu.unpack_subelements %add3A_670, 0 {pack_format = #tpu.pack_format<interleaved>} : vector<32xbf16> -> vector<16xf32>
          %unpack3A_672 = tpu.unpack_subelements %add3A_670, 1 {pack_format = #tpu.pack_format<interleaved>} : vector<32xbf16> -> vector<16xf32>
          %add3A_673 = arith.addf %add3A_639, %unpack3A_671 : vector<16xf32>
          %add3A_674 = arith.addf %add3A_640, %unpack3A_672 : vector<16xf32>
          %add3A_675 = arith.addi %add3A_422, %and3A_248 : vector<16xi32>
          %gather3A_676 = tpu.vector_load_idx %arg9[%add3A_396, %add3A_675] : memref<80x64xi32, #tpu.memory_space<vmem>>[vector<16xi32>, vector<16xi32>], vector<16xi32>,
          %gather3A_677 = tpu.vector_load_idx %arg10[%add3A_396, %add3A_675] : memref<80x64xi32, #tpu.memory_space<vmem>>[vector<16xi32>, vector<16xi32>], vector<16xi32>,
          %bitcast3A_678 = vector.bitcast %gather3A_676 : vector<16xi32> to vector<32xbf16>
          %bitcast3A_679 = vector.bitcast %gather3A_677 : vector<16xi32> to vector<32xbf16>
          %mul3A_680 = arith.mulf %bitcast3A_678, %bitcast3A_679 : vector<32xbf16>
          %add3A_681 = arith.addi %add3A_422, %and3A_254 : vector<16xi32>
          %gather3A_682 = tpu.vector_load_idx %arg9[%add3A_396, %add3A_681] : memref<80x64xi32, #tpu.memory_space<vmem>>[vector<16xi32>, vector<16xi32>], vector<16xi32>,
          %gather3A_683 = tpu.vector_load_idx %arg10[%add3A_396, %add3A_681] : memref<80x64xi32, #tpu.memory_space<vmem>>[vector<16xi32>, vector<16xi32>], vector<16xi32>,
          %bitcast3A_684 = vector.bitcast %gather3A_682 : vector<16xi32> to vector<32xbf16>
          %bitcast3A_685 = vector.bitcast %gather3A_683 : vector<16xi32> to vector<32xbf16>
          %mul3A_686 = arith.mulf %bitcast3A_684, %bitcast3A_685 : vector<32xbf16>
          %add3A_687 = arith.addf %mul3A_680, %mul3A_686 : vector<32xbf16>
          %unpack3A_688 = tpu.unpack_subelements %add3A_687, 0 {pack_format = #tpu.pack_format<interleaved>} : vector<32xbf16> -> vector<16xf32>
          %unpack3A_689 = tpu.unpack_subelements %add3A_687, 1 {pack_format = #tpu.pack_format<interleaved>} : vector<32xbf16> -> vector<16xf32>
          %add3A_690 = arith.addf %add3A_656, %unpack3A_688 : vector<16xf32>
          %add3A_691 = arith.addf %add3A_657, %unpack3A_689 : vector<16xf32>
          %add3A_692 = arith.constant 32 : i32
          %add3A_693 = vector.broadcast %add3A_692 : i32 to vector<16xi32>
          %add3A_694 = arith.addi %scan3A_419, %add3A_693 : vector<16xi32>
          scf.yield %add3A_673, %add3A_690, %add3A_674, %add3A_691, %add3A_694 : vector<16xf32>, vector<16xf32>, vector<16xf32>, vector<16xf32>, vector<16xi32>
        }
        %scan3A_405 = arith.constant 2 : i32
        %add3A_406 = arith.addf %scan3A_404#0, %scan3A_404#1 : vector<16xf32>
        %add3A_407 = arith.addf %scan3A_404#2, %scan3A_404#3 : vector<16xf32>
        %add3A_408 = arith.addf %add3A_406, %add3A_407 : vector<16xf32>
        %mul3A_409 = arith.constant 16 : i32
        %mul3A_410 = arith.muli %scan3A_391, %mul3A_409 : i32
        %add3A_411 = arith.addi %mul3A_157, %mul3A_410 : i32
        %swap3A = arith.index_cast %add3A_411 : i32 to index
        %swap3A_412 = tpu.vector_load %arg8[%swap3A] {strides = array<i32>} : memref<10000xf32, #tpu.memory_space<vmem>>, vector<16xf32>,
        tpu.vector_store %arg8[%swap3A], %add3A_408 {strides = array<i32>} : memref<10000xf32, #tpu.memory_space<vmem>>, vector<16xf32>,
        %scan3A_413 = arith.constant 0 : i32
        scf.yield %scan3A_413 : i32
      }
      %scan3A_261 = arith.constant 5 : i32
      %add3A_262 = arith.constant 2 : i32
      %add3A_263 = arith.addi %mul3A_133, %add3A_262 : i32
      %mul3A_264 = arith.constant 80 : i32
      %mul3A_265 = arith.muli %add3A_263, %mul3A_264 : i32
      %dma_start3A_266 = tpu.memref_slice %arg6[%mul3A_265] : memref<10000xi32, #tpu.memory_space<vmem>> -> memref<80xi32, #tpu.memory_space<vmem>>
      %dma_start3A_267 = arith.constant 0 : i32
      %dma_start3A_268 = arith.constant 0 : i32
      %dma_start3A_269 = tpu.memref_slice %arg2[%dma_start3A_267, %dma_start3A_268] : memref<10000x64xi32, #tpu.memory_space<hbm>> -> memref<10000x64xi32, #tpu.memory_space<hbm>>
      tpu.enqueue_indirect_dma source(%dma_start3A_269 : memref<10000x64xi32, #tpu.memory_space<hbm>>) target(%arg9 : memref<80x64xi32, #tpu.memory_space<vmem>>) offsets(%dma_start3A_266 : memref<80xi32, #tpu.memory_space<vmem>>) semaphore(%arg13 : memref<!tpu.dma_semaphore, #tpu.memory_space<semaphore_mem>>)
      %dma_start3A_270 = tpu.memref_slice %arg7[%mul3A_265] : memref<10000xi32, #tpu.memory_space<vmem>> -> memref<80xi32, #tpu.memory_space<vmem>>
      %dma_start3A_271 = arith.constant 0 : i32
      %dma_start3A_272 = arith.constant 0 : i32
      %dma_start3A_273 = tpu.memref_slice %arg3[%dma_start3A_271, %dma_start3A_272] : memref<10000x64xi32, #tpu.memory_space<hbm>> -> memref<10000x64xi32, #tpu.memory_space<hbm>>
      tpu.enqueue_indirect_dma source(%dma_start3A_273 : memref<10000x64xi32, #tpu.memory_space<hbm>>) target(%arg10 : memref<80x64xi32, #tpu.memory_space<vmem>>) offsets(%dma_start3A_270 : memref<80xi32, #tpu.memory_space<vmem>>) semaphore(%arg14 : memref<!tpu.dma_semaphore, #tpu.memory_space<semaphore_mem>>)
      %dma_wait3A_274 = arith.constant 0 : i32
      %dma_wait3A_275 = tpu.memref_slice %arg6[%dma_wait3A_274] : memref<10000xi32, #tpu.memory_space<vmem>> -> memref<80xi32, #tpu.memory_space<vmem>>
      %dma_wait3A_276 = arith.constant 0 : i32
      %dma_wait3A_277 = arith.constant 0 : i32
      %dma_wait3A_278 = tpu.memref_slice %arg2[%dma_wait3A_276, %dma_wait3A_277] : memref<10000x64xi32, #tpu.memory_space<hbm>> -> memref<10000x64xi32, #tpu.memory_space<hbm>>
      tpu.wait_indirect_dma semaphore(%arg15 : memref<!tpu.dma_semaphore, #tpu.memory_space<semaphore_mem>>) src(%dma_wait3A_278 : memref<10000x64xi32, #tpu.memory_space<hbm>>) dst(%arg11 : memref<80x64xi32, #tpu.memory_space<vmem>>)
      %dma_wait3A_279 = arith.constant 0 : i32
      %dma_wait3A_280 = tpu.memref_slice %arg7[%dma_wait3A_279] : memref<10000xi32, #tpu.memory_space<vmem>> -> memref<80xi32, #tpu.memory_space<vmem>>
      %dma_wait3A_281 = arith.constant 0 : i32
      %dma_wait3A_282 = arith.constant 0 : i32
      %dma_wait3A_283 = tpu.memref_slice %arg3[%dma_wait3A_281, %dma_wait3A_282] : memref<10000x64xi32, #tpu.memory_space<hbm>> -> memref<10000x64xi32, #tpu.memory_space<hbm>>
      tpu.wait_indirect_dma semaphore(%arg16 : memref<!tpu.dma_semaphore, #tpu.memory_space<semaphore_mem>>) src(%dma_wait3A_283 : memref<10000x64xi32, #tpu.memory_space<hbm>>) dst(%arg12 : memref<80x64xi32, #tpu.memory_space<vmem>>)
      %mul3A_284 = arith.constant 80 : i32
      %mul3A_285 = arith.muli %add3A_135, %mul3A_284 : i32
      %iota3A_286 = tpu.iota {dimensions = array<i32: 0>} : vector<16xi32>
      %add3A_287 = arith.constant 0 : i32
      %add3A_288 = vector.broadcast %add3A_287 : i32 to vector<16xi32>
      %add3A_289 = arith.addi %iota3A_286, %add3A_288 : vector<16xi32>
      %and3A_290 = arith.constant 15 : i32
      %and3A_291 = vector.broadcast %and3A_290 : i32 to vector<16xi32>
      %and3A_292 = arith.andi %add3A_289, %and3A_291 : vector<16xi32>
      %add3A_293 = arith.constant 1 : i32
      %add3A_294 = vector.broadcast %add3A_293 : i32 to vector<16xi32>
      %add3A_295 = arith.addi %iota3A_286, %add3A_294 : vector<16xi32>
      %and3A_296 = arith.constant 15 : i32
      %and3A_297 = vector.broadcast %and3A_296 : i32 to vector<16xi32>
      %and3A_298 = arith.andi %add3A_295, %and3A_297 : vector<16xi32>
      %add3A_299 = arith.constant 2 : i32
      %add3A_300 = vector.broadcast %add3A_299 : i32 to vector<16xi32>
      %add3A_301 = arith.addi %iota3A_286, %add3A_300 : vector<16xi32>
      %and3A_302 = arith.constant 15 : i32
      %and3A_303 = vector.broadcast %and3A_302 : i32 to vector<16xi32>
      %and3A_304 = arith.andi %add3A_301, %and3A_303 : vector<16xi32>
      %add3A_305 = arith.constant 3 : i32
      %add3A_306 = vector.broadcast %add3A_305 : i32 to vector<16xi32>
      %add3A_307 = arith.addi %iota3A_286, %add3A_306 : vector<16xi32>
      %and3A_308 = arith.constant 15 : i32
      %and3A_309 = vector.broadcast %and3A_308 : i32 to vector<16xi32>
      %and3A_310 = arith.andi %add3A_307, %and3A_309 : vector<16xi32>
      %add3A_311 = arith.constant 4 : i32
      %add3A_312 = vector.broadcast %add3A_311 : i32 to vector<16xi32>
      %add3A_313 = arith.addi %iota3A_286, %add3A_312 : vector<16xi32>
      %and3A_314 = arith.constant 15 : i32
      %and3A_315 = vector.broadcast %and3A_314 : i32 to vector<16xi32>
      %and3A_316 = arith.andi %add3A_313, %and3A_315 : vector<16xi32>
      %add3A_317 = arith.constant 5 : i32
      %add3A_318 = vector.broadcast %add3A_317 : i32 to vector<16xi32>
      %add3A_319 = arith.addi %iota3A_286, %add3A_318 : vector<16xi32>
      %and3A_320 = arith.constant 15 : i32
      %and3A_321 = vector.broadcast %and3A_320 : i32 to vector<16xi32>
      %and3A_322 = arith.andi %add3A_319, %and3A_321 : vector<16xi32>
      %add3A_323 = arith.constant 6 : i32
      %add3A_324 = vector.broadcast %add3A_323 : i32 to vector<16xi32>
      %add3A_325 = arith.addi %iota3A_286, %add3A_324 : vector<16xi32>
      %and3A_326 = arith.constant 15 : i32
      %and3A_327 = vector.broadcast %and3A_326 : i32 to vector<16xi32>
      %and3A_328 = arith.andi %add3A_325, %and3A_327 : vector<16xi32>
      %add3A_329 = arith.constant 7 : i32
      %add3A_330 = vector.broadcast %add3A_329 : i32 to vector<16xi32>
      %add3A_331 = arith.addi %iota3A_286, %add3A_330 : vector<16xi32>
      %and3A_332 = arith.constant 15 : i32
      %and3A_333 = vector.broadcast %and3A_332 : i32 to vector<16xi32>
      %and3A_334 = arith.andi %add3A_331, %and3A_333 : vector<16xi32>
      %add3A_335 = arith.constant 8 : i32
      %add3A_336 = vector.broadcast %add3A_335 : i32 to vector<16xi32>
      %add3A_337 = arith.addi %iota3A_286, %add3A_336 : vector<16xi32>
      %and3A_338 = arith.constant 15 : i32
      %and3A_339 = vector.broadcast %and3A_338 : i32 to vector<16xi32>
      %and3A_340 = arith.andi %add3A_337, %and3A_339 : vector<16xi32>
      %add3A_341 = arith.constant 9 : i32
      %add3A_342 = vector.broadcast %add3A_341 : i32 to vector<16xi32>
      %add3A_343 = arith.addi %iota3A_286, %add3A_342 : vector<16xi32>
      %and3A_344 = arith.constant 15 : i32
      %and3A_345 = vector.broadcast %and3A_344 : i32 to vector<16xi32>
      %and3A_346 = arith.andi %add3A_343, %and3A_345 : vector<16xi32>
      %add3A_347 = arith.constant 10 : i32
      %add3A_348 = vector.broadcast %add3A_347 : i32 to vector<16xi32>
      %add3A_349 = arith.addi %iota3A_286, %add3A_348 : vector<16xi32>
      %and3A_350 = arith.constant 15 : i32
      %and3A_351 = vector.broadcast %and3A_350 : i32 to vector<16xi32>
      %and3A_352 = arith.andi %add3A_349, %and3A_351 : vector<16xi32>
      %add3A_353 = arith.constant 11 : i32
      %add3A_354 = vector.broadcast %add3A_353 : i32 to vector<16xi32>
      %add3A_355 = arith.addi %iota3A_286, %add3A_354 : vector<16xi32>
      %and3A_356 = arith.constant 15 : i32
      %and3A_357 = vector.broadcast %and3A_356 : i32 to vector<16xi32>
      %and3A_358 = arith.andi %add3A_355, %and3A_357 : vector<16xi32>
      %add3A_359 = arith.constant 12 : i32
      %add3A_360 = vector.broadcast %add3A_359 : i32 to vector<16xi32>
      %add3A_361 = arith.addi %iota3A_286, %add3A_360 : vector<16xi32>
      %and3A_362 = arith.constant 15 : i32
      %and3A_363 = vector.broadcast %and3A_362 : i32 to vector<16xi32>
      %and3A_364 = arith.andi %add3A_361, %and3A_363 : vector<16xi32>
      %add3A_365 = arith.constant 13 : i32
      %add3A_366 = vector.broadcast %add3A_365 : i32 to vector<16xi32>
      %add3A_367 = arith.addi %iota3A_286, %add3A_366 : vector<16xi32>
      %and3A_368 = arith.constant 15 : i32
      %and3A_369 = vector.broadcast %and3A_368 : i32 to vector<16xi32>
      %and3A_370 = arith.andi %add3A_367, %and3A_369 : vector<16xi32>
      %add3A_371 = arith.constant 14 : i32
      %add3A_372 = vector.broadcast %add3A_371 : i32 to vector<16xi32>
      %add3A_373 = arith.addi %iota3A_286, %add3A_372 : vector<16xi32>
      %and3A_374 = arith.constant 15 : i32
      %and3A_375 = vector.broadcast %and3A_374 : i32 to vector<16xi32>
      %and3A_376 = arith.andi %add3A_373, %and3A_375 : vector<16xi32>
      %add3A_377 = arith.constant 15 : i32
      %add3A_378 = vector.broadcast %add3A_377 : i32 to vector<16xi32>
      %add3A_379 = arith.addi %iota3A_286, %add3A_378 : vector<16xi32>
      %and3A_380 = arith.constant 15 : i32
      %and3A_381 = vector.broadcast %and3A_380 : i32 to vector<16xi32>
      %and3A_382 = arith.andi %add3A_379, %and3A_381 : vector<16xi32>
      %scan3A_383 = arith.constant 0 : i32
      %scan3A_384 = arith.constant 0 : i32
      %scan3A_385 = arith.constant 5 : i32
      %scan3A_386 = arith.addi %scan3A_384, %scan3A_385 : i32
      %scan3A_387 = arith.constant 1 : i32
      %scan3A_388 = scf.for %scan3A_391 = %scan3A_384 to %scan3A_386 step %scan3A_387 iter_args(%scan3A_392 = %scan3A_383) -> (i32)  : i32 {
        %mul3A_393 = arith.constant 16 : i32
        %mul3A_394 = arith.muli %scan3A_391, %mul3A_393 : i32
        %add3A_395 = vector.broadcast %mul3A_394 : i32 to vector<16xi32>
        %add3A_396 = arith.addi %add3A_395, %iota3A_286 : vector<16xi32>
        %broadcast_in_dim3A = arith.constant 0.000000e+00 : f32
        %broadcast_in_dim3A_397 = vector.broadcast %broadcast_in_dim3A : f32 to vector<16xf32>
        %broadcast_in_dim3A_398 = arith.constant 0 : i32
        %broadcast_in_dim3A_399 = vector.broadcast %broadcast_in_dim3A_398 : i32 to vector<16xi32>
        %scan3A_400 = arith.constant 0 : i32
        %scan3A_401 = arith.constant 2 : i32
        %scan3A_402 = arith.addi %scan3A_400, %scan3A_401 : i32
        %scan3A_403 = arith.constant 1 : i32
        %scan3A_404:5 = scf.for %scan3A_414 = %scan3A_400 to %scan3A_402 step %scan3A_403 iter_args(%scan3A_415 = %broadcast_in_dim3A_397, %scan3A_416 = %broadcast_in_dim3A_397, %scan3A_417 = %broadcast_in_dim3A_397, %scan3A_418 = %broadcast_in_dim3A_397, %scan3A_419 = %broadcast_in_dim3A_399) -> (vector<16xf32>, vector<16xf32>, vector<16xf32>, vector<16xf32>, vector<16xi32>)  : i32 {
          %add3A_420 = arith.constant 16 : i32
          %add3A_421 = vector.broadcast %add3A_420 : i32 to vector<16xi32>
          %add3A_422 = arith.addi %scan3A_419, %add3A_421 : vector<16xi32>
          %add3A_423 = arith.addi %scan3A_419, %and3A_292 : vector<16xi32>
          %gather3A = tpu.vector_load_idx %arg11[%add3A_396, %add3A_423] : memref<80x64xi32, #tpu.memory_space<vmem>>[vector<16xi32>, vector<16xi32>], vector<16xi32>,
          %gather3A_424 = tpu.vector_load_idx %arg12[%add3A_396, %add3A_423] : memref<80x64xi32, #tpu.memory_space<vmem>>[vector<16xi32>, vector<16xi32>], vector<16xi32>,
          %bitcast3A = vector.bitcast %gather3A : vector<16xi32> to vector<32xbf16>
          %bitcast3A_425 = vector.bitcast %gather3A_424 : vector<16xi32> to vector<32xbf16>
          %mul3A_426 = arith.mulf %bitcast3A, %bitcast3A_425 : vector<32xbf16>
          %add3A_427 = arith.addi %scan3A_419, %and3A_298 : vector<16xi32>
          %gather3A_428 = tpu.vector_load_idx %arg11[%add3A_396, %add3A_427] : memref<80x64xi32, #tpu.memory_space<vmem>>[vector<16xi32>, vector<16xi32>], vector<16xi32>,
          %gather3A_429 = tpu.vector_load_idx %arg12[%add3A_396, %add3A_427] : memref<80x64xi32, #tpu.memory_space<vmem>>[vector<16xi32>, vector<16xi32>], vector<16xi32>,
          %bitcast3A_430 = vector.bitcast %gather3A_428 : vector<16xi32> to vector<32xbf16>
          %bitcast3A_431 = vector.bitcast %gather3A_429 : vector<16xi32> to vector<32xbf16>
          %mul3A_432 = arith.mulf %bitcast3A_430, %bitcast3A_431 : vector<32xbf16>
          %add3A_433 = arith.addf %mul3A_426, %mul3A_432 : vector<32xbf16>
          %unpack3A = tpu.unpack_subelements %add3A_433, 0 {pack_format = #tpu.pack_format<interleaved>} : vector<32xbf16> -> vector<16xf32>
          %unpack3A_434 = tpu.unpack_subelements %add3A_433, 1 {pack_format = #tpu.pack_format<interleaved>} : vector<32xbf16> -> vector<16xf32>
          %add3A_435 = arith.addf %scan3A_415, %unpack3A : vector<16xf32>
          %add3A_436 = arith.addf %scan3A_417, %unpack3A_434 : vector<16xf32>
          %add3A_437 = arith.addi %scan3A_419, %and3A_304 : vector<16xi32>
          %gather3A_438 = tpu.vector_load_idx %arg11[%add3A_396, %add3A_437] : memref<80x64xi32, #tpu.memory_space<vmem>>[vector<16xi32>, vector<16xi32>], vector<16xi32>,
          %gather3A_439 = tpu.vector_load_idx %arg12[%add3A_396, %add3A_437] : memref<80x64xi32, #tpu.memory_space<vmem>>[vector<16xi32>, vector<16xi32>], vector<16xi32>,
          %bitcast3A_440 = vector.bitcast %gather3A_438 : vector<16xi32> to vector<32xbf16>
          %bitcast3A_441 = vector.bitcast %gather3A_439 : vector<16xi32> to vector<32xbf16>
          %mul3A_442 = arith.mulf %bitcast3A_440, %bitcast3A_441 : vector<32xbf16>
          %add3A_443 = arith.addi %scan3A_419, %and3A_310 : vector<16xi32>
          %gather3A_444 = tpu.vector_load_idx %arg11[%add3A_396, %add3A_443] : memref<80x64xi32, #tpu.memory_space<vmem>>[vector<16xi32>, vector<16xi32>], vector<16xi32>,
          %gather3A_445 = tpu.vector_load_idx %arg12[%add3A_396, %add3A_443] : memref<80x64xi32, #tpu.memory_space<vmem>>[vector<16xi32>, vector<16xi32>], vector<16xi32>,
          %bitcast3A_446 = vector.bitcast %gather3A_444 : vector<16xi32> to vector<32xbf16>
          %bitcast3A_447 = vector.bitcast %gather3A_445 : vector<16xi32> to vector<32xbf16>
          %mul3A_448 = arith.mulf %bitcast3A_446, %bitcast3A_447 : vector<32xbf16>
          %add3A_449 = arith.addf %mul3A_442, %mul3A_448 : vector<32xbf16>
          %unpack3A_450 = tpu.unpack_subelements %add3A_449, 0 {pack_format = #tpu.pack_format<interleaved>} : vector<32xbf16> -> vector<16xf32>
          %unpack3A_451 = tpu.unpack_subelements %add3A_449, 1 {pack_format = #tpu.pack_format<interleaved>} : vector<32xbf16> -> vector<16xf32>
          %add3A_452 = arith.addf %scan3A_416, %unpack3A_450 : vector<16xf32>
          %add3A_453 = arith.addf %scan3A_418, %unpack3A_451 : vector<16xf32>
          %add3A_454 = arith.addi %scan3A_419, %and3A_316 : vector<16xi32>
          %gather3A_455 = tpu.vector_load_idx %arg11[%add3A_396, %add3A_454] : memref<80x64xi32, #tpu.memory_space<vmem>>[vector<16xi32>, vector<16xi32>], vector<16xi32>,
          %gather3A_456 = tpu.vector_load_idx %arg12[%add3A_396, %add3A_454] : memref<80x64xi32, #tpu.memory_space<vmem>>[vector<16xi32>, vector<16xi32>], vector<16xi32>,
          %bitcast3A_457 = vector.bitcast %gather3A_455 : vector<16xi32> to vector<32xbf16>
          %bitcast3A_458 = vector.bitcast %gather3A_456 : vector<16xi32> to vector<32xbf16>
          %mul3A_459 = arith.mulf %bitcast3A_457, %bitcast3A_458 : vector<32xbf16>
          %add3A_460 = arith.addi %scan3A_419, %and3A_322 : vector<16xi32>
          %gather3A_461 = tpu.vector_load_idx %arg11[%add3A_396, %add3A_460] : memref<80x64xi32, #tpu.memory_space<vmem>>[vector<16xi32>, vector<16xi32>], vector<16xi32>,
          %gather3A_462 = tpu.vector_load_idx %arg12[%add3A_396, %add3A_460] : memref<80x64xi32, #tpu.memory_space<vmem>>[vector<16xi32>, vector<16xi32>], vector<16xi32>,
          %bitcast3A_463 = vector.bitcast %gather3A_461 : vector<16xi32> to vector<32xbf16>
          %bitcast3A_464 = vector.bitcast %gather3A_462 : vector<16xi32> to vector<32xbf16>
          %mul3A_465 = arith.mulf %bitcast3A_463, %bitcast3A_464 : vector<32xbf16>
          %add3A_466 = arith.addf %mul3A_459, %mul3A_465 : vector<32xbf16>
          %unpack3A_467 = tpu.unpack_subelements %add3A_466, 0 {pack_format = #tpu.pack_format<interleaved>} : vector<32xbf16> -> vector<16xf32>
          %unpack3A_468 = tpu.unpack_subelements %add3A_466, 1 {pack_format = #tpu.pack_format<interleaved>} : vector<32xbf16> -> vector<16xf32>
          %add3A_469 = arith.addf %add3A_435, %unpack3A_467 : vector<16xf32>
          %add3A_470 = arith.addf %add3A_436, %unpack3A_468 : vector<16xf32>
          %add3A_471 = arith.addi %scan3A_419, %and3A_328 : vector<16xi32>
          %gather3A_472 = tpu.vector_load_idx %arg11[%add3A_396, %add3A_471] : memref<80x64xi32, #tpu.memory_space<vmem>>[vector<16xi32>, vector<16xi32>], vector<16xi32>,
          %gather3A_473 = tpu.vector_load_idx %arg12[%add3A_396, %add3A_471] : memref<80x64xi32, #tpu.memory_space<vmem>>[vector<16xi32>, vector<16xi32>], vector<16xi32>,
          %bitcast3A_474 = vector.bitcast %gather3A_472 : vector<16xi32> to vector<32xbf16>
          %bitcast3A_475 = vector.bitcast %gather3A_473 : vector<16xi32> to vector<32xbf16>
          %mul3A_476 = arith.mulf %bitcast3A_474, %bitcast3A_475 : vector<32xbf16>
          %add3A_477 = arith.addi %scan3A_419, %and3A_334 : vector<16xi32>
          %gather3A_478 = tpu.vector_load_idx %arg11[%add3A_396, %add3A_477] : memref<80x64xi32, #tpu.memory_space<vmem>>[vector<16xi32>, vector<16xi32>], vector<16xi32>,
          %gather3A_479 = tpu.vector_load_idx %arg12[%add3A_396, %add3A_477] : memref<80x64xi32, #tpu.memory_space<vmem>>[vector<16xi32>, vector<16xi32>], vector<16xi32>,
          %bitcast3A_480 = vector.bitcast %gather3A_478 : vector<16xi32> to vector<32xbf16>
          %bitcast3A_481 = vector.bitcast %gather3A_479 : vector<16xi32> to vector<32xbf16>
          %mul3A_482 = arith.mulf %bitcast3A_480, %bitcast3A_481 : vector<32xbf16>
          %add3A_483 = arith.addf %mul3A_476, %mul3A_482 : vector<32xbf16>
          %unpack3A_484 = tpu.unpack_subelements %add3A_483, 0 {pack_format = #tpu.pack_format<interleaved>} : vector<32xbf16> -> vector<16xf32>
          %unpack3A_485 = tpu.unpack_subelements %add3A_483, 1 {pack_format = #tpu.pack_format<interleaved>} : vector<32xbf16> -> vector<16xf32>
          %add3A_486 = arith.addf %add3A_452, %unpack3A_484 : vector<16xf32>
          %add3A_487 = arith.addf %add3A_453, %unpack3A_485 : vector<16xf32>
          %add3A_488 = arith.addi %scan3A_419, %and3A_340 : vector<16xi32>
          %gather3A_489 = tpu.vector_load_idx %arg11[%add3A_396, %add3A_488] : memref<80x64xi32, #tpu.memory_space<vmem>>[vector<16xi32>, vector<16xi32>], vector<16xi32>,
          %gather3A_490 = tpu.vector_load_idx %arg12[%add3A_396, %add3A_488] : memref<80x64xi32, #tpu.memory_space<vmem>>[vector<16xi32>, vector<16xi32>], vector<16xi32>,
          %bitcast3A_491 = vector.bitcast %gather3A_489 : vector<16xi32> to vector<32xbf16>
          %bitcast3A_492 = vector.bitcast %gather3A_490 : vector<16xi32> to vector<32xbf16>
          %mul3A_493 = arith.mulf %bitcast3A_491, %bitcast3A_492 : vector<32xbf16>
          %add3A_494 = arith.addi %scan3A_419, %and3A_346 : vector<16xi32>
          %gather3A_495 = tpu.vector_load_idx %arg11[%add3A_396, %add3A_494] : memref<80x64xi32, #tpu.memory_space<vmem>>[vector<16xi32>, vector<16xi32>], vector<16xi32>,
          %gather3A_496 = tpu.vector_load_idx %arg12[%add3A_396, %add3A_494] : memref<80x64xi32, #tpu.memory_space<vmem>>[vector<16xi32>, vector<16xi32>], vector<16xi32>,
          %bitcast3A_497 = vector.bitcast %gather3A_495 : vector<16xi32> to vector<32xbf16>
          %bitcast3A_498 = vector.bitcast %gather3A_496 : vector<16xi32> to vector<32xbf16>
          %mul3A_499 = arith.mulf %bitcast3A_497, %bitcast3A_498 : vector<32xbf16>
          %add3A_500 = arith.addf %mul3A_493, %mul3A_499 : vector<32xbf16>
          %unpack3A_501 = tpu.unpack_subelements %add3A_500, 0 {pack_format = #tpu.pack_format<interleaved>} : vector<32xbf16> -> vector<16xf32>
          %unpack3A_502 = tpu.unpack_subelements %add3A_500, 1 {pack_format = #tpu.pack_format<interleaved>} : vector<32xbf16> -> vector<16xf32>
          %add3A_503 = arith.addf %add3A_469, %unpack3A_501 : vector<16xf32>
          %add3A_504 = arith.addf %add3A_470, %unpack3A_502 : vector<16xf32>
          %add3A_505 = arith.addi %scan3A_419, %and3A_352 : vector<16xi32>
          %gather3A_506 = tpu.vector_load_idx %arg11[%add3A_396, %add3A_505] : memref<80x64xi32, #tpu.memory_space<vmem>>[vector<16xi32>, vector<16xi32>], vector<16xi32>,
          %gather3A_507 = tpu.vector_load_idx %arg12[%add3A_396, %add3A_505] : memref<80x64xi32, #tpu.memory_space<vmem>>[vector<16xi32>, vector<16xi32>], vector<16xi32>,
          %bitcast3A_508 = vector.bitcast %gather3A_506 : vector<16xi32> to vector<32xbf16>
          %bitcast3A_509 = vector.bitcast %gather3A_507 : vector<16xi32> to vector<32xbf16>
          %mul3A_510 = arith.mulf %bitcast3A_508, %bitcast3A_509 : vector<32xbf16>
          %add3A_511 = arith.addi %scan3A_419, %and3A_358 : vector<16xi32>
          %gather3A_512 = tpu.vector_load_idx %arg11[%add3A_396, %add3A_511] : memref<80x64xi32, #tpu.memory_space<vmem>>[vector<16xi32>, vector<16xi32>], vector<16xi32>,
          %gather3A_513 = tpu.vector_load_idx %arg12[%add3A_396, %add3A_511] : memref<80x64xi32, #tpu.memory_space<vmem>>[vector<16xi32>, vector<16xi32>], vector<16xi32>,
          %bitcast3A_514 = vector.bitcast %gather3A_512 : vector<16xi32> to vector<32xbf16>
          %bitcast3A_515 = vector.bitcast %gather3A_513 : vector<16xi32> to vector<32xbf16>
          %mul3A_516 = arith.mulf %bitcast3A_514, %bitcast3A_515 : vector<32xbf16>
          %add3A_517 = arith.addf %mul3A_510, %mul3A_516 : vector<32xbf16>
          %unpack3A_518 = tpu.unpack_subelements %add3A_517, 0 {pack_format = #tpu.pack_format<interleaved>} : vector<32xbf16> -> vector<16xf32>
          %unpack3A_519 = tpu.unpack_subelements %add3A_517, 1 {pack_format = #tpu.pack_format<interleaved>} : vector<32xbf16> -> vector<16xf32>
          %add3A_520 = arith.addf %add3A_486, %unpack3A_518 : vector<16xf32>
          %add3A_521 = arith.addf %add3A_487, %unpack3A_519 : vector<16xf32>
          %add3A_522 = arith.addi %scan3A_419, %and3A_364 : vector<16xi32>
          %gather3A_523 = tpu.vector_load_idx %arg11[%add3A_396, %add3A_522] : memref<80x64xi32, #tpu.memory_space<vmem>>[vector<16xi32>, vector<16xi32>], vector<16xi32>,
          %gather3A_524 = tpu.vector_load_idx %arg12[%add3A_396, %add3A_522] : memref<80x64xi32, #tpu.memory_space<vmem>>[vector<16xi32>, vector<16xi32>], vector<16xi32>,
          %bitcast3A_525 = vector.bitcast %gather3A_523 : vector<16xi32> to vector<32xbf16>
          %bitcast3A_526 = vector.bitcast %gather3A_524 : vector<16xi32> to vector<32xbf16>
          %mul3A_527 = arith.mulf %bitcast3A_525, %bitcast3A_526 : vector<32xbf16>
          %add3A_528 = arith.addi %scan3A_419, %and3A_370 : vector<16xi32>
          %gather3A_529 = tpu.vector_load_idx %arg11[%add3A_396, %add3A_528] : memref<80x64xi32, #tpu.memory_space<vmem>>[vector<16xi32>, vector<16xi32>], vector<16xi32>,
          %gather3A_530 = tpu.vector_load_idx %arg12[%add3A_396, %add3A_528] : memref<80x64xi32, #tpu.memory_space<vmem>>[vector<16xi32>, vector<16xi32>], vector<16xi32>,
          %bitcast3A_531 = vector.bitcast %gather3A_529 : vector<16xi32> to vector<32xbf16>
          %bitcast3A_532 = vector.bitcast %gather3A_530 : vector<16xi32> to vector<32xbf16>
          %mul3A_533 = arith.mulf %bitcast3A_531, %bitcast3A_532 : vector<32xbf16>
          %add3A_534 = arith.addf %mul3A_527, %mul3A_533 : vector<32xbf16>
          %unpack3A_535 = tpu.unpack_subelements %add3A_534, 0 {pack_format = #tpu.pack_format<interleaved>} : vector<32xbf16> -> vector<16xf32>
          %unpack3A_536 = tpu.unpack_subelements %add3A_534, 1 {pack_format = #tpu.pack_format<interleaved>} : vector<32xbf16> -> vector<16xf32>
          %add3A_537 = arith.addf %add3A_503, %unpack3A_535 : vector<16xf32>
          %add3A_538 = arith.addf %add3A_504, %unpack3A_536 : vector<16xf32>
          %add3A_539 = arith.addi %scan3A_419, %and3A_376 : vector<16xi32>
          %gather3A_540 = tpu.vector_load_idx %arg11[%add3A_396, %add3A_539] : memref<80x64xi32, #tpu.memory_space<vmem>>[vector<16xi32>, vector<16xi32>], vector<16xi32>,
          %gather3A_541 = tpu.vector_load_idx %arg12[%add3A_396, %add3A_539] : memref<80x64xi32, #tpu.memory_space<vmem>>[vector<16xi32>, vector<16xi32>], vector<16xi32>,
          %bitcast3A_542 = vector.bitcast %gather3A_540 : vector<16xi32> to vector<32xbf16>
          %bitcast3A_543 = vector.bitcast %gather3A_541 : vector<16xi32> to vector<32xbf16>
          %mul3A_544 = arith.mulf %bitcast3A_542, %bitcast3A_543 : vector<32xbf16>
          %add3A_545 = arith.addi %scan3A_419, %and3A_382 : vector<16xi32>
          %gather3A_546 = tpu.vector_load_idx %arg11[%add3A_396, %add3A_545] : memref<80x64xi32, #tpu.memory_space<vmem>>[vector<16xi32>, vector<16xi32>], vector<16xi32>,
          %gather3A_547 = tpu.vector_load_idx %arg12[%add3A_396, %add3A_545] : memref<80x64xi32, #tpu.memory_space<vmem>>[vector<16xi32>, vector<16xi32>], vector<16xi32>,
          %bitcast3A_548 = vector.bitcast %gather3A_546 : vector<16xi32> to vector<32xbf16>
          %bitcast3A_549 = vector.bitcast %gather3A_547 : vector<16xi32> to vector<32xbf16>
          %mul3A_550 = arith.mulf %bitcast3A_548, %bitcast3A_549 : vector<32xbf16>
          %add3A_551 = arith.addf %mul3A_544, %mul3A_550 : vector<32xbf16>
          %unpack3A_552 = tpu.unpack_subelements %add3A_551, 0 {pack_format = #tpu.pack_format<interleaved>} : vector<32xbf16> -> vector<16xf32>
          %unpack3A_553 = tpu.unpack_subelements %add3A_551, 1 {pack_format = #tpu.pack_format<interleaved>} : vector<32xbf16> -> vector<16xf32>
          %add3A_554 = arith.addf %add3A_520, %unpack3A_552 : vector<16xf32>
          %add3A_555 = arith.addf %add3A_521, %unpack3A_553 : vector<16xf32>
          %add3A_556 = arith.addi %add3A_422, %and3A_292 : vector<16xi32>
          %gather3A_557 = tpu.vector_load_idx %arg11[%add3A_396, %add3A_556] : memref<80x64xi32, #tpu.memory_space<vmem>>[vector<16xi32>, vector<16xi32>], vector<16xi32>,
          %gather3A_558 = tpu.vector_load_idx %arg12[%add3A_396, %add3A_556] : memref<80x64xi32, #tpu.memory_space<vmem>>[vector<16xi32>, vector<16xi32>], vector<16xi32>,
          %bitcast3A_559 = vector.bitcast %gather3A_557 : vector<16xi32> to vector<32xbf16>
          %bitcast3A_560 = vector.bitcast %gather3A_558 : vector<16xi32> to vector<32xbf16>
          %mul3A_561 = arith.mulf %bitcast3A_559, %bitcast3A_560 : vector<32xbf16>
          %add3A_562 = arith.addi %add3A_422, %and3A_298 : vector<16xi32>
          %gather3A_563 = tpu.vector_load_idx %arg11[%add3A_396, %add3A_562] : memref<80x64xi32, #tpu.memory_space<vmem>>[vector<16xi32>, vector<16xi32>], vector<16xi32>,
          %gather3A_564 = tpu.vector_load_idx %arg12[%add3A_396, %add3A_562] : memref<80x64xi32, #tpu.memory_space<vmem>>[vector<16xi32>, vector<16xi32>], vector<16xi32>,
          %bitcast3A_565 = vector.bitcast %gather3A_563 : vector<16xi32> to vector<32xbf16>
          %bitcast3A_566 = vector.bitcast %gather3A_564 : vector<16xi32> to vector<32xbf16>
          %mul3A_567 = arith.mulf %bitcast3A_565, %bitcast3A_566 : vector<32xbf16>
          %add3A_568 = arith.addf %mul3A_561, %mul3A_567 : vector<32xbf16>
          %unpack3A_569 = tpu.unpack_subelements %add3A_568, 0 {pack_format = #tpu.pack_format<interleaved>} : vector<32xbf16> -> vector<16xf32>
          %unpack3A_570 = tpu.unpack_subelements %add3A_568, 1 {pack_format = #tpu.pack_format<interleaved>} : vector<32xbf16> -> vector<16xf32>
          %add3A_571 = arith.addf %add3A_537, %unpack3A_569 : vector<16xf32>
          %add3A_572 = arith.addf %add3A_538, %unpack3A_570 : vector<16xf32>
          %add3A_573 = arith.addi %add3A_422, %and3A_304 : vector<16xi32>
          %gather3A_574 = tpu.vector_load_idx %arg11[%add3A_396, %add3A_573] : memref<80x64xi32, #tpu.memory_space<vmem>>[vector<16xi32>, vector<16xi32>], vector<16xi32>,
          %gather3A_575 = tpu.vector_load_idx %arg12[%add3A_396, %add3A_573] : memref<80x64xi32, #tpu.memory_space<vmem>>[vector<16xi32>, vector<16xi32>], vector<16xi32>,
          %bitcast3A_576 = vector.bitcast %gather3A_574 : vector<16xi32> to vector<32xbf16>
          %bitcast3A_577 = vector.bitcast %gather3A_575 : vector<16xi32> to vector<32xbf16>
          %mul3A_578 = arith.mulf %bitcast3A_576, %bitcast3A_577 : vector<32xbf16>
          %add3A_579 = arith.addi %add3A_422, %and3A_310 : vector<16xi32>
          %gather3A_580 = tpu.vector_load_idx %arg11[%add3A_396, %add3A_579] : memref<80x64xi32, #tpu.memory_space<vmem>>[vector<16xi32>, vector<16xi32>], vector<16xi32>,
          %gather3A_581 = tpu.vector_load_idx %arg12[%add3A_396, %add3A_579] : memref<80x64xi32, #tpu.memory_space<vmem>>[vector<16xi32>, vector<16xi32>], vector<16xi32>,
          %bitcast3A_582 = vector.bitcast %gather3A_580 : vector<16xi32> to vector<32xbf16>
          %bitcast3A_583 = vector.bitcast %gather3A_581 : vector<16xi32> to vector<32xbf16>
          %mul3A_584 = arith.mulf %bitcast3A_582, %bitcast3A_583 : vector<32xbf16>
          %add3A_585 = arith.addf %mul3A_578, %mul3A_584 : vector<32xbf16>
          %unpack3A_586 = tpu.unpack_subelements %add3A_585, 0 {pack_format = #tpu.pack_format<interleaved>} : vector<32xbf16> -> vector<16xf32>
          %unpack3A_587 = tpu.unpack_subelements %add3A_585, 1 {pack_format = #tpu.pack_format<interleaved>} : vector<32xbf16> -> vector<16xf32>
          %add3A_588 = arith.addf %add3A_554, %unpack3A_586 : vector<16xf32>
          %add3A_589 = arith.addf %add3A_555, %unpack3A_587 : vector<16xf32>
          %add3A_590 = arith.addi %add3A_422, %and3A_316 : vector<16xi32>
          %gather3A_591 = tpu.vector_load_idx %arg11[%add3A_396, %add3A_590] : memref<80x64xi32, #tpu.memory_space<vmem>>[vector<16xi32>, vector<16xi32>], vector<16xi32>,
          %gather3A_592 = tpu.vector_load_idx %arg12[%add3A_396, %add3A_590] : memref<80x64xi32, #tpu.memory_space<vmem>>[vector<16xi32>, vector<16xi32>], vector<16xi32>,
          %bitcast3A_593 = vector.bitcast %gather3A_591 : vector<16xi32> to vector<32xbf16>
          %bitcast3A_594 = vector.bitcast %gather3A_592 : vector<16xi32> to vector<32xbf16>
          %mul3A_595 = arith.mulf %bitcast3A_593, %bitcast3A_594 : vector<32xbf16>
          %add3A_596 = arith.addi %add3A_422, %and3A_322 : vector<16xi32>
          %gather3A_597 = tpu.vector_load_idx %arg11[%add3A_396, %add3A_596] : memref<80x64xi32, #tpu.memory_space<vmem>>[vector<16xi32>, vector<16xi32>], vector<16xi32>,
          %gather3A_598 = tpu.vector_load_idx %arg12[%add3A_396, %add3A_596] : memref<80x64xi32, #tpu.memory_space<vmem>>[vector<16xi32>, vector<16xi32>], vector<16xi32>,
          %bitcast3A_599 = vector.bitcast %gather3A_597 : vector<16xi32> to vector<32xbf16>
          %bitcast3A_600 = vector.bitcast %gather3A_598 : vector<16xi32> to vector<32xbf16>
          %mul3A_601 = arith.mulf %bitcast3A_599, %bitcast3A_600 : vector<32xbf16>
          %add3A_602 = arith.addf %mul3A_595, %mul3A_601 : vector<32xbf16>
          %unpack3A_603 = tpu.unpack_subelements %add3A_602, 0 {pack_format = #tpu.pack_format<interleaved>} : vector<32xbf16> -> vector<16xf32>
          %unpack3A_604 = tpu.unpack_subelements %add3A_602, 1 {pack_format = #tpu.pack_format<interleaved>} : vector<32xbf16> -> vector<16xf32>
          %add3A_605 = arith.addf %add3A_571, %unpack3A_603 : vector<16xf32>
          %add3A_606 = arith.addf %add3A_572, %unpack3A_604 : vector<16xf32>
          %add3A_607 = arith.addi %add3A_422, %and3A_328 : vector<16xi32>
          %gather3A_608 = tpu.vector_load_idx %arg11[%add3A_396, %add3A_607] : memref<80x64xi32, #tpu.memory_space<vmem>>[vector<16xi32>, vector<16xi32>], vector<16xi32>,
          %gather3A_609 = tpu.vector_load_idx %arg12[%add3A_396, %add3A_607] : memref<80x64xi32, #tpu.memory_space<vmem>>[vector<16xi32>, vector<16xi32>], vector<16xi32>,
          %bitcast3A_610 = vector.bitcast %gather3A_608 : vector<16xi32> to vector<32xbf16>
          %bitcast3A_611 = vector.bitcast %gather3A_609 : vector<16xi32> to vector<32xbf16>
          %mul3A_612 = arith.mulf %bitcast3A_610, %bitcast3A_611 : vector<32xbf16>
          %add3A_613 = arith.addi %add3A_422, %and3A_334 : vector<16xi32>
          %gather3A_614 = tpu.vector_load_idx %arg11[%add3A_396, %add3A_613] : memref<80x64xi32, #tpu.memory_space<vmem>>[vector<16xi32>, vector<16xi32>], vector<16xi32>,
          %gather3A_615 = tpu.vector_load_idx %arg12[%add3A_396, %add3A_613] : memref<80x64xi32, #tpu.memory_space<vmem>>[vector<16xi32>, vector<16xi32>], vector<16xi32>,
          %bitcast3A_616 = vector.bitcast %gather3A_614 : vector<16xi32> to vector<32xbf16>
          %bitcast3A_617 = vector.bitcast %gather3A_615 : vector<16xi32> to vector<32xbf16>
          %mul3A_618 = arith.mulf %bitcast3A_616, %bitcast3A_617 : vector<32xbf16>
          %add3A_619 = arith.addf %mul3A_612, %mul3A_618 : vector<32xbf16>
          %unpack3A_620 = tpu.unpack_subelements %add3A_619, 0 {pack_format = #tpu.pack_format<interleaved>} : vector<32xbf16> -> vector<16xf32>
          %unpack3A_621 = tpu.unpack_subelements %add3A_619, 1 {pack_format = #tpu.pack_format<interleaved>} : vector<32xbf16> -> vector<16xf32>
          %add3A_622 = arith.addf %add3A_588, %unpack3A_620 : vector<16xf32>
          %add3A_623 = arith.addf %add3A_589, %unpack3A_621 : vector<16xf32>
          %add3A_624 = arith.addi %add3A_422, %and3A_340 : vector<16xi32>
          %gather3A_625 = tpu.vector_load_idx %arg11[%add3A_396, %add3A_624] : memref<80x64xi32, #tpu.memory_space<vmem>>[vector<16xi32>, vector<16xi32>], vector<16xi32>,
          %gather3A_626 = tpu.vector_load_idx %arg12[%add3A_396, %add3A_624] : memref<80x64xi32, #tpu.memory_space<vmem>>[vector<16xi32>, vector<16xi32>], vector<16xi32>,
          %bitcast3A_627 = vector.bitcast %gather3A_625 : vector<16xi32> to vector<32xbf16>
          %bitcast3A_628 = vector.bitcast %gather3A_626 : vector<16xi32> to vector<32xbf16>
          %mul3A_629 = arith.mulf %bitcast3A_627, %bitcast3A_628 : vector<32xbf16>
          %add3A_630 = arith.addi %add3A_422, %and3A_346 : vector<16xi32>
          %gather3A_631 = tpu.vector_load_idx %arg11[%add3A_396, %add3A_630] : memref<80x64xi32, #tpu.memory_space<vmem>>[vector<16xi32>, vector<16xi32>], vector<16xi32>,
          %gather3A_632 = tpu.vector_load_idx %arg12[%add3A_396, %add3A_630] : memref<80x64xi32, #tpu.memory_space<vmem>>[vector<16xi32>, vector<16xi32>], vector<16xi32>,
          %bitcast3A_633 = vector.bitcast %gather3A_631 : vector<16xi32> to vector<32xbf16>
          %bitcast3A_634 = vector.bitcast %gather3A_632 : vector<16xi32> to vector<32xbf16>
          %mul3A_635 = arith.mulf %bitcast3A_633, %bitcast3A_634 : vector<32xbf16>
          %add3A_636 = arith.addf %mul3A_629, %mul3A_635 : vector<32xbf16>
          %unpack3A_637 = tpu.unpack_subelements %add3A_636, 0 {pack_format = #tpu.pack_format<interleaved>} : vector<32xbf16> -> vector<16xf32>
          %unpack3A_638 = tpu.unpack_subelements %add3A_636, 1 {pack_format = #tpu.pack_format<interleaved>} : vector<32xbf16> -> vector<16xf32>
          %add3A_639 = arith.addf %add3A_605, %unpack3A_637 : vector<16xf32>
          %add3A_640 = arith.addf %add3A_606, %unpack3A_638 : vector<16xf32>
          %add3A_641 = arith.addi %add3A_422, %and3A_352 : vector<16xi32>
          %gather3A_642 = tpu.vector_load_idx %arg11[%add3A_396, %add3A_641] : memref<80x64xi32, #tpu.memory_space<vmem>>[vector<16xi32>, vector<16xi32>], vector<16xi32>,
          %gather3A_643 = tpu.vector_load_idx %arg12[%add3A_396, %add3A_641] : memref<80x64xi32, #tpu.memory_space<vmem>>[vector<16xi32>, vector<16xi32>], vector<16xi32>,
          %bitcast3A_644 = vector.bitcast %gather3A_642 : vector<16xi32> to vector<32xbf16>
          %bitcast3A_645 = vector.bitcast %gather3A_643 : vector<16xi32> to vector<32xbf16>
          %mul3A_646 = arith.mulf %bitcast3A_644, %bitcast3A_645 : vector<32xbf16>
          %add3A_647 = arith.addi %add3A_422, %and3A_358 : vector<16xi32>
          %gather3A_648 = tpu.vector_load_idx %arg11[%add3A_396, %add3A_647] : memref<80x64xi32, #tpu.memory_space<vmem>>[vector<16xi32>, vector<16xi32>], vector<16xi32>,
          %gather3A_649 = tpu.vector_load_idx %arg12[%add3A_396, %add3A_647] : memref<80x64xi32, #tpu.memory_space<vmem>>[vector<16xi32>, vector<16xi32>], vector<16xi32>,
          %bitcast3A_650 = vector.bitcast %gather3A_648 : vector<16xi32> to vector<32xbf16>
          %bitcast3A_651 = vector.bitcast %gather3A_649 : vector<16xi32> to vector<32xbf16>
          %mul3A_652 = arith.mulf %bitcast3A_650, %bitcast3A_651 : vector<32xbf16>
          %add3A_653 = arith.addf %mul3A_646, %mul3A_652 : vector<32xbf16>
          %unpack3A_654 = tpu.unpack_subelements %add3A_653, 0 {pack_format = #tpu.pack_format<interleaved>} : vector<32xbf16> -> vector<16xf32>
          %unpack3A_655 = tpu.unpack_subelements %add3A_653, 1 {pack_format = #tpu.pack_format<interleaved>} : vector<32xbf16> -> vector<16xf32>
          %add3A_656 = arith.addf %add3A_622, %unpack3A_654 : vector<16xf32>
          %add3A_657 = arith.addf %add3A_623, %unpack3A_655 : vector<16xf32>
          %add3A_658 = arith.addi %add3A_422, %and3A_364 : vector<16xi32>
          %gather3A_659 = tpu.vector_load_idx %arg11[%add3A_396, %add3A_658] : memref<80x64xi32, #tpu.memory_space<vmem>>[vector<16xi32>, vector<16xi32>], vector<16xi32>,
          %gather3A_660 = tpu.vector_load_idx %arg12[%add3A_396, %add3A_658] : memref<80x64xi32, #tpu.memory_space<vmem>>[vector<16xi32>, vector<16xi32>], vector<16xi32>,
          %bitcast3A_661 = vector.bitcast %gather3A_659 : vector<16xi32> to vector<32xbf16>
          %bitcast3A_662 = vector.bitcast %gather3A_660 : vector<16xi32> to vector<32xbf16>
          %mul3A_663 = arith.mulf %bitcast3A_661, %bitcast3A_662 : vector<32xbf16>
          %add3A_664 = arith.addi %add3A_422, %and3A_370 : vector<16xi32>
          %gather3A_665 = tpu.vector_load_idx %arg11[%add3A_396, %add3A_664] : memref<80x64xi32, #tpu.memory_space<vmem>>[vector<16xi32>, vector<16xi32>], vector<16xi32>,
          %gather3A_666 = tpu.vector_load_idx %arg12[%add3A_396, %add3A_664] : memref<80x64xi32, #tpu.memory_space<vmem>>[vector<16xi32>, vector<16xi32>], vector<16xi32>,
          %bitcast3A_667 = vector.bitcast %gather3A_665 : vector<16xi32> to vector<32xbf16>
          %bitcast3A_668 = vector.bitcast %gather3A_666 : vector<16xi32> to vector<32xbf16>
          %mul3A_669 = arith.mulf %bitcast3A_667, %bitcast3A_668 : vector<32xbf16>
          %add3A_670 = arith.addf %mul3A_663, %mul3A_669 : vector<32xbf16>
          %unpack3A_671 = tpu.unpack_subelements %add3A_670, 0 {pack_format = #tpu.pack_format<interleaved>} : vector<32xbf16> -> vector<16xf32>
          %unpack3A_672 = tpu.unpack_subelements %add3A_670, 1 {pack_format = #tpu.pack_format<interleaved>} : vector<32xbf16> -> vector<16xf32>
          %add3A_673 = arith.addf %add3A_639, %unpack3A_671 : vector<16xf32>
          %add3A_674 = arith.addf %add3A_640, %unpack3A_672 : vector<16xf32>
          %add3A_675 = arith.addi %add3A_422, %and3A_376 : vector<16xi32>
          %gather3A_676 = tpu.vector_load_idx %arg11[%add3A_396, %add3A_675] : memref<80x64xi32, #tpu.memory_space<vmem>>[vector<16xi32>, vector<16xi32>], vector<16xi32>,
          %gather3A_677 = tpu.vector_load_idx %arg12[%add3A_396, %add3A_675] : memref<80x64xi32, #tpu.memory_space<vmem>>[vector<16xi32>, vector<16xi32>], vector<16xi32>,
          %bitcast3A_678 = vector.bitcast %gather3A_676 : vector<16xi32> to vector<32xbf16>
          %bitcast3A_679 = vector.bitcast %gather3A_677 : vector<16xi32> to vector<32xbf16>
          %mul3A_680 = arith.mulf %bitcast3A_678, %bitcast3A_679 : vector<32xbf16>
          %add3A_681 = arith.addi %add3A_422, %and3A_382 : vector<16xi32>
          %gather3A_682 = tpu.vector_load_idx %arg11[%add3A_396, %add3A_681] : memref<80x64xi32, #tpu.memory_space<vmem>>[vector<16xi32>, vector<16xi32>], vector<16xi32>,
          %gather3A_683 = tpu.vector_load_idx %arg12[%add3A_396, %add3A_681] : memref<80x64xi32, #tpu.memory_space<vmem>>[vector<16xi32>, vector<16xi32>], vector<16xi32>,
          %bitcast3A_684 = vector.bitcast %gather3A_682 : vector<16xi32> to vector<32xbf16>
          %bitcast3A_685 = vector.bitcast %gather3A_683 : vector<16xi32> to vector<32xbf16>
          %mul3A_686 = arith.mulf %bitcast3A_684, %bitcast3A_685 : vector<32xbf16>
          %add3A_687 = arith.addf %mul3A_680, %mul3A_686 : vector<32xbf16>
          %unpack3A_688 = tpu.unpack_subelements %add3A_687, 0 {pack_format = #tpu.pack_format<interleaved>} : vector<32xbf16> -> vector<16xf32>
          %unpack3A_689 = tpu.unpack_subelements %add3A_687, 1 {pack_format = #tpu.pack_format<interleaved>} : vector<32xbf16> -> vector<16xf32>
          %add3A_690 = arith.addf %add3A_656, %unpack3A_688 : vector<16xf32>
          %add3A_691 = arith.addf %add3A_657, %unpack3A_689 : vector<16xf32>
          %add3A_692 = arith.constant 32 : i32
          %add3A_693 = vector.broadcast %add3A_692 : i32 to vector<16xi32>
          %add3A_694 = arith.addi %scan3A_419, %add3A_693 : vector<16xi32>
          scf.yield %add3A_673, %add3A_690, %add3A_674, %add3A_691, %add3A_694 : vector<16xf32>, vector<16xf32>, vector<16xf32>, vector<16xf32>, vector<16xi32>
        }
        %scan3A_405 = arith.constant 2 : i32
        %add3A_406 = arith.addf %scan3A_404#0, %scan3A_404#1 : vector<16xf32>
        %add3A_407 = arith.addf %scan3A_404#2, %scan3A_404#3 : vector<16xf32>
        %add3A_408 = arith.addf %add3A_406, %add3A_407 : vector<16xf32>
        %mul3A_409 = arith.constant 16 : i32
        %mul3A_410 = arith.muli %scan3A_391, %mul3A_409 : i32
        %add3A_411 = arith.addi %mul3A_285, %mul3A_410 : i32
        %swap3A = arith.index_cast %add3A_411 : i32 to index
        %swap3A_412 = tpu.vector_load %arg8[%swap3A] {strides = array<i32>} : memref<10000xf32, #tpu.memory_space<vmem>>, vector<16xf32>,
        tpu.vector_store %arg8[%swap3A], %add3A_408 {strides = array<i32>} : memref<10000xf32, #tpu.memory_space<vmem>>, vector<16xf32>,
        %scan3A_413 = arith.constant 0 : i32
        scf.yield %scan3A_413 : i32
      }
      %scan3A_389 = arith.constant 5 : i32
      %scan3A_390 = arith.constant 0 : i32
      scf.yield %scan3A_390 : i32
    }
    %scan3A_18 = arith.constant 62 : i32
    %dma_wait3A = arith.constant 0 : i32
    %dma_wait3A_19 = tpu.memref_slice %arg6[%dma_wait3A] : memref<10000xi32, #tpu.memory_space<vmem>> -> memref<80xi32, #tpu.memory_space<vmem>>
    %dma_wait3A_20 = arith.constant 0 : i32
    %dma_wait3A_21 = arith.constant 0 : i32
    %dma_wait3A_22 = tpu.memref_slice %arg2[%dma_wait3A_20, %dma_wait3A_21] : memref<10000x64xi32, #tpu.memory_space<hbm>> -> memref<10000x64xi32, #tpu.memory_space<hbm>>
    tpu.wait_indirect_dma semaphore(%arg13 : memref<!tpu.dma_semaphore, #tpu.memory_space<semaphore_mem>>) src(%dma_wait3A_22 : memref<10000x64xi32, #tpu.memory_space<hbm>>) dst(%arg9 : memref<80x64xi32, #tpu.memory_space<vmem>>)
    %dma_wait3A_23 = arith.constant 0 : i32
    %dma_wait3A_24 = tpu.memref_slice %arg7[%dma_wait3A_23] : memref<10000xi32, #tpu.memory_space<vmem>> -> memref<80xi32, #tpu.memory_space<vmem>>
    %dma_wait3A_25 = arith.constant 0 : i32
    %dma_wait3A_26 = arith.constant 0 : i32
    %dma_wait3A_27 = tpu.memref_slice %arg3[%dma_wait3A_25, %dma_wait3A_26] : memref<10000x64xi32, #tpu.memory_space<hbm>> -> memref<10000x64xi32, #tpu.memory_space<hbm>>
    tpu.wait_indirect_dma semaphore(%arg14 : memref<!tpu.dma_semaphore, #tpu.memory_space<semaphore_mem>>) src(%dma_wait3A_27 : memref<10000x64xi32, #tpu.memory_space<hbm>>) dst(%arg10 : memref<80x64xi32, #tpu.memory_space<vmem>>)
    %iota3A = tpu.iota {dimensions = array<i32: 0>} : vector<16xi32>
    %add3A_28 = arith.constant 0 : i32
    %add3A_29 = vector.broadcast %add3A_28 : i32 to vector<16xi32>
    %add3A_30 = arith.addi %iota3A, %add3A_29 : vector<16xi32>
    %and3A = arith.constant 15 : i32
    %and3A_31 = vector.broadcast %and3A : i32 to vector<16xi32>
    %and3A_32 = arith.andi %add3A_30, %and3A_31 : vector<16xi32>
    %add3A_33 = arith.constant 1 : i32
    %add3A_34 = vector.broadcast %add3A_33 : i32 to vector<16xi32>
    %add3A_35 = arith.addi %iota3A, %add3A_34 : vector<16xi32>
    %and3A_36 = arith.constant 15 : i32
    %and3A_37 = vector.broadcast %and3A_36 : i32 to vector<16xi32>
    %and3A_38 = arith.andi %add3A_35, %and3A_37 : vector<16xi32>
    %add3A_39 = arith.constant 2 : i32
    %add3A_40 = vector.broadcast %add3A_39 : i32 to vector<16xi32>
    %add3A_41 = arith.addi %iota3A, %add3A_40 : vector<16xi32>
    %and3A_42 = arith.constant 15 : i32
    %and3A_43 = vector.broadcast %and3A_42 : i32 to vector<16xi32>
    %and3A_44 = arith.andi %add3A_41, %and3A_43 : vector<16xi32>
    %add3A_45 = arith.constant 3 : i32
    %add3A_46 = vector.broadcast %add3A_45 : i32 to vector<16xi32>
    %add3A_47 = arith.addi %iota3A, %add3A_46 : vector<16xi32>
    %and3A_48 = arith.constant 15 : i32
    %and3A_49 = vector.broadcast %and3A_48 : i32 to vector<16xi32>
    %and3A_50 = arith.andi %add3A_47, %and3A_49 : vector<16xi32>
    %add3A_51 = arith.constant 4 : i32
    %add3A_52 = vector.broadcast %add3A_51 : i32 to vector<16xi32>
    %add3A_53 = arith.addi %iota3A, %add3A_52 : vector<16xi32>
    %and3A_54 = arith.constant 15 : i32
    %and3A_55 = vector.broadcast %and3A_54 : i32 to vector<16xi32>
    %and3A_56 = arith.andi %add3A_53, %and3A_55 : vector<16xi32>
    %add3A_57 = arith.constant 5 : i32
    %add3A_58 = vector.broadcast %add3A_57 : i32 to vector<16xi32>
    %add3A_59 = arith.addi %iota3A, %add3A_58 : vector<16xi32>
    %and3A_60 = arith.constant 15 : i32
    %and3A_61 = vector.broadcast %and3A_60 : i32 to vector<16xi32>
    %and3A_62 = arith.andi %add3A_59, %and3A_61 : vector<16xi32>
    %add3A_63 = arith.constant 6 : i32
    %add3A_64 = vector.broadcast %add3A_63 : i32 to vector<16xi32>
    %add3A_65 = arith.addi %iota3A, %add3A_64 : vector<16xi32>
    %and3A_66 = arith.constant 15 : i32
    %and3A_67 = vector.broadcast %and3A_66 : i32 to vector<16xi32>
    %and3A_68 = arith.andi %add3A_65, %and3A_67 : vector<16xi32>
    %add3A_69 = arith.constant 7 : i32
    %add3A_70 = vector.broadcast %add3A_69 : i32 to vector<16xi32>
    %add3A_71 = arith.addi %iota3A, %add3A_70 : vector<16xi32>
    %and3A_72 = arith.constant 15 : i32
    %and3A_73 = vector.broadcast %and3A_72 : i32 to vector<16xi32>
    %and3A_74 = arith.andi %add3A_71, %and3A_73 : vector<16xi32>
    %add3A_75 = arith.constant 8 : i32
    %add3A_76 = vector.broadcast %add3A_75 : i32 to vector<16xi32>
    %add3A_77 = arith.addi %iota3A, %add3A_76 : vector<16xi32>
    %and3A_78 = arith.constant 15 : i32
    %and3A_79 = vector.broadcast %and3A_78 : i32 to vector<16xi32>
    %and3A_80 = arith.andi %add3A_77, %and3A_79 : vector<16xi32>
    %add3A_81 = arith.constant 9 : i32
    %add3A_82 = vector.broadcast %add3A_81 : i32 to vector<16xi32>
    %add3A_83 = arith.addi %iota3A, %add3A_82 : vector<16xi32>
    %and3A_84 = arith.constant 15 : i32
    %and3A_85 = vector.broadcast %and3A_84 : i32 to vector<16xi32>
    %and3A_86 = arith.andi %add3A_83, %and3A_85 : vector<16xi32>
    %add3A_87 = arith.constant 10 : i32
    %add3A_88 = vector.broadcast %add3A_87 : i32 to vector<16xi32>
    %add3A_89 = arith.addi %iota3A, %add3A_88 : vector<16xi32>
    %and3A_90 = arith.constant 15 : i32
    %and3A_91 = vector.broadcast %and3A_90 : i32 to vector<16xi32>
    %and3A_92 = arith.andi %add3A_89, %and3A_91 : vector<16xi32>
    %add3A_93 = arith.constant 11 : i32
    %add3A_94 = vector.broadcast %add3A_93 : i32 to vector<16xi32>
    %add3A_95 = arith.addi %iota3A, %add3A_94 : vector<16xi32>
    %and3A_96 = arith.constant 15 : i32
    %and3A_97 = vector.broadcast %and3A_96 : i32 to vector<16xi32>
    %and3A_98 = arith.andi %add3A_95, %and3A_97 : vector<16xi32>
    %add3A_99 = arith.constant 12 : i32
    %add3A_100 = vector.broadcast %add3A_99 : i32 to vector<16xi32>
    %add3A_101 = arith.addi %iota3A, %add3A_100 : vector<16xi32>
    %and3A_102 = arith.constant 15 : i32
    %and3A_103 = vector.broadcast %and3A_102 : i32 to vector<16xi32>
    %and3A_104 = arith.andi %add3A_101, %and3A_103 : vector<16xi32>
    %add3A_105 = arith.constant 13 : i32
    %add3A_106 = vector.broadcast %add3A_105 : i32 to vector<16xi32>
    %add3A_107 = arith.addi %iota3A, %add3A_106 : vector<16xi32>
    %and3A_108 = arith.constant 15 : i32
    %and3A_109 = vector.broadcast %and3A_108 : i32 to vector<16xi32>
    %and3A_110 = arith.andi %add3A_107, %and3A_109 : vector<16xi32>
    %add3A_111 = arith.constant 14 : i32
    %add3A_112 = vector.broadcast %add3A_111 : i32 to vector<16xi32>
    %add3A_113 = arith.addi %iota3A, %add3A_112 : vector<16xi32>
    %and3A_114 = arith.constant 15 : i32
    %and3A_115 = vector.broadcast %and3A_114 : i32 to vector<16xi32>
    %and3A_116 = arith.andi %add3A_113, %and3A_115 : vector<16xi32>
    %add3A_117 = arith.constant 15 : i32
    %add3A_118 = vector.broadcast %add3A_117 : i32 to vector<16xi32>
    %add3A_119 = arith.addi %iota3A, %add3A_118 : vector<16xi32>
    %and3A_120 = arith.constant 15 : i32
    %and3A_121 = vector.broadcast %and3A_120 : i32 to vector<16xi32>
    %and3A_122 = arith.andi %add3A_119, %and3A_121 : vector<16xi32>
    %scan3A_123 = arith.constant 0 : i32
    %scan3A_124 = arith.constant 0 : i32
    %scan3A_125 = arith.constant 5 : i32
    %scan3A_126 = arith.addi %scan3A_124, %scan3A_125 : i32
    %scan3A_127 = arith.constant 1 : i32
    %scan3A_128 = scf.for %scan3A_130 = %scan3A_124 to %scan3A_126 step %scan3A_127 iter_args(%scan3A_131 = %scan3A_123) -> (i32)  : i32 {
      %mul3A_132 = arith.constant 16 : i32
      %mul3A_133 = arith.muli %scan3A_130, %mul3A_132 : i32
      %add3A_134 = vector.broadcast %mul3A_133 : i32 to vector<16xi32>
      %add3A_135 = arith.addi %add3A_134, %iota3A : vector<16xi32>
      %broadcast_in_dim3A = arith.constant 0.000000e+00 : f32
      %broadcast_in_dim3A_136 = vector.broadcast %broadcast_in_dim3A : f32 to vector<16xf32>
      %broadcast_in_dim3A_137 = arith.constant 0 : i32
      %broadcast_in_dim3A_138 = vector.broadcast %broadcast_in_dim3A_137 : i32 to vector<16xi32>
      %scan3A_139 = arith.constant 0 : i32
      %scan3A_140 = arith.constant 2 : i32
      %scan3A_141 = arith.addi %scan3A_139, %scan3A_140 : i32
      %scan3A_142 = arith.constant 1 : i32
      %scan3A_143:5 = scf.for %scan3A_154 = %scan3A_139 to %scan3A_141 step %scan3A_142 iter_args(%scan3A_155 = %broadcast_in_dim3A_136, %scan3A_156 = %broadcast_in_dim3A_136, %scan3A_157 = %broadcast_in_dim3A_136, %scan3A_158 = %broadcast_in_dim3A_136, %scan3A_159 = %broadcast_in_dim3A_138) -> (vector<16xf32>, vector<16xf32>, vector<16xf32>, vector<16xf32>, vector<16xi32>)  : i32 {
        %add3A_160 = arith.constant 16 : i32
        %add3A_161 = vector.broadcast %add3A_160 : i32 to vector<16xi32>
        %add3A_162 = arith.addi %scan3A_159, %add3A_161 : vector<16xi32>
        %add3A_163 = arith.addi %scan3A_159, %and3A_32 : vector<16xi32>
        %gather3A = tpu.vector_load_idx %arg9[%add3A_135, %add3A_163] : memref<80x64xi32, #tpu.memory_space<vmem>>[vector<16xi32>, vector<16xi32>], vector<16xi32>,
        %gather3A_164 = tpu.vector_load_idx %arg10[%add3A_135, %add3A_163] : memref<80x64xi32, #tpu.memory_space<vmem>>[vector<16xi32>, vector<16xi32>], vector<16xi32>,
        %bitcast3A = vector.bitcast %gather3A : vector<16xi32> to vector<32xbf16>
        %bitcast3A_165 = vector.bitcast %gather3A_164 : vector<16xi32> to vector<32xbf16>
        %mul3A_166 = arith.mulf %bitcast3A, %bitcast3A_165 : vector<32xbf16>
        %add3A_167 = arith.addi %scan3A_159, %and3A_38 : vector<16xi32>
        %gather3A_168 = tpu.vector_load_idx %arg9[%add3A_135, %add3A_167] : memref<80x64xi32, #tpu.memory_space<vmem>>[vector<16xi32>, vector<16xi32>], vector<16xi32>,
        %gather3A_169 = tpu.vector_load_idx %arg10[%add3A_135, %add3A_167] : memref<80x64xi32, #tpu.memory_space<vmem>>[vector<16xi32>, vector<16xi32>], vector<16xi32>,
        %bitcast3A_170 = vector.bitcast %gather3A_168 : vector<16xi32> to vector<32xbf16>
        %bitcast3A_171 = vector.bitcast %gather3A_169 : vector<16xi32> to vector<32xbf16>
        %mul3A_172 = arith.mulf %bitcast3A_170, %bitcast3A_171 : vector<32xbf16>
        %add3A_173 = arith.addf %mul3A_166, %mul3A_172 : vector<32xbf16>
        %unpack3A = tpu.unpack_subelements %add3A_173, 0 {pack_format = #tpu.pack_format<interleaved>} : vector<32xbf16> -> vector<16xf32>
        %unpack3A_174 = tpu.unpack_subelements %add3A_173, 1 {pack_format = #tpu.pack_format<interleaved>} : vector<32xbf16> -> vector<16xf32>
        %add3A_175 = arith.addf %scan3A_155, %unpack3A : vector<16xf32>
        %add3A_176 = arith.addf %scan3A_157, %unpack3A_174 : vector<16xf32>
        %add3A_177 = arith.addi %scan3A_159, %and3A_44 : vector<16xi32>
        %gather3A_178 = tpu.vector_load_idx %arg9[%add3A_135, %add3A_177] : memref<80x64xi32, #tpu.memory_space<vmem>>[vector<16xi32>, vector<16xi32>], vector<16xi32>,
        %gather3A_179 = tpu.vector_load_idx %arg10[%add3A_135, %add3A_177] : memref<80x64xi32, #tpu.memory_space<vmem>>[vector<16xi32>, vector<16xi32>], vector<16xi32>,
        %bitcast3A_180 = vector.bitcast %gather3A_178 : vector<16xi32> to vector<32xbf16>
        %bitcast3A_181 = vector.bitcast %gather3A_179 : vector<16xi32> to vector<32xbf16>
        %mul3A_182 = arith.mulf %bitcast3A_180, %bitcast3A_181 : vector<32xbf16>
        %add3A_183 = arith.addi %scan3A_159, %and3A_50 : vector<16xi32>
        %gather3A_184 = tpu.vector_load_idx %arg9[%add3A_135, %add3A_183] : memref<80x64xi32, #tpu.memory_space<vmem>>[vector<16xi32>, vector<16xi32>], vector<16xi32>,
        %gather3A_185 = tpu.vector_load_idx %arg10[%add3A_135, %add3A_183] : memref<80x64xi32, #tpu.memory_space<vmem>>[vector<16xi32>, vector<16xi32>], vector<16xi32>,
        %bitcast3A_186 = vector.bitcast %gather3A_184 : vector<16xi32> to vector<32xbf16>
        %bitcast3A_187 = vector.bitcast %gather3A_185 : vector<16xi32> to vector<32xbf16>
        %mul3A_188 = arith.mulf %bitcast3A_186, %bitcast3A_187 : vector<32xbf16>
        %add3A_189 = arith.addf %mul3A_182, %mul3A_188 : vector<32xbf16>
        %unpack3A_190 = tpu.unpack_subelements %add3A_189, 0 {pack_format = #tpu.pack_format<interleaved>} : vector<32xbf16> -> vector<16xf32>
        %unpack3A_191 = tpu.unpack_subelements %add3A_189, 1 {pack_format = #tpu.pack_format<interleaved>} : vector<32xbf16> -> vector<16xf32>
        %add3A_192 = arith.addf %scan3A_156, %unpack3A_190 : vector<16xf32>
        %add3A_193 = arith.addf %scan3A_158, %unpack3A_191 : vector<16xf32>
        %add3A_194 = arith.addi %scan3A_159, %and3A_56 : vector<16xi32>
        %gather3A_195 = tpu.vector_load_idx %arg9[%add3A_135, %add3A_194] : memref<80x64xi32, #tpu.memory_space<vmem>>[vector<16xi32>, vector<16xi32>], vector<16xi32>,
        %gather3A_196 = tpu.vector_load_idx %arg10[%add3A_135, %add3A_194] : memref<80x64xi32, #tpu.memory_space<vmem>>[vector<16xi32>, vector<16xi32>], vector<16xi32>,
        %bitcast3A_197 = vector.bitcast %gather3A_195 : vector<16xi32> to vector<32xbf16>
        %bitcast3A_198 = vector.bitcast %gather3A_196 : vector<16xi32> to vector<32xbf16>
        %mul3A_199 = arith.mulf %bitcast3A_197, %bitcast3A_198 : vector<32xbf16>
        %add3A_200 = arith.addi %scan3A_159, %and3A_62 : vector<16xi32>
        %gather3A_201 = tpu.vector_load_idx %arg9[%add3A_135, %add3A_200] : memref<80x64xi32, #tpu.memory_space<vmem>>[vector<16xi32>, vector<16xi32>], vector<16xi32>,
        %gather3A_202 = tpu.vector_load_idx %arg10[%add3A_135, %add3A_200] : memref<80x64xi32, #tpu.memory_space<vmem>>[vector<16xi32>, vector<16xi32>], vector<16xi32>,
        %bitcast3A_203 = vector.bitcast %gather3A_201 : vector<16xi32> to vector<32xbf16>
        %bitcast3A_204 = vector.bitcast %gather3A_202 : vector<16xi32> to vector<32xbf16>
        %mul3A_205 = arith.mulf %bitcast3A_203, %bitcast3A_204 : vector<32xbf16>
        %add3A_206 = arith.addf %mul3A_199, %mul3A_205 : vector<32xbf16>
        %unpack3A_207 = tpu.unpack_subelements %add3A_206, 0 {pack_format = #tpu.pack_format<interleaved>} : vector<32xbf16> -> vector<16xf32>
        %unpack3A_208 = tpu.unpack_subelements %add3A_206, 1 {pack_format = #tpu.pack_format<interleaved>} : vector<32xbf16> -> vector<16xf32>
        %add3A_209 = arith.addf %add3A_175, %unpack3A_207 : vector<16xf32>
        %add3A_210 = arith.addf %add3A_176, %unpack3A_208 : vector<16xf32>
        %add3A_211 = arith.addi %scan3A_159, %and3A_68 : vector<16xi32>
        %gather3A_212 = tpu.vector_load_idx %arg9[%add3A_135, %add3A_211] : memref<80x64xi32, #tpu.memory_space<vmem>>[vector<16xi32>, vector<16xi32>], vector<16xi32>,
        %gather3A_213 = tpu.vector_load_idx %arg10[%add3A_135, %add3A_211] : memref<80x64xi32, #tpu.memory_space<vmem>>[vector<16xi32>, vector<16xi32>], vector<16xi32>,
        %bitcast3A_214 = vector.bitcast %gather3A_212 : vector<16xi32> to vector<32xbf16>
        %bitcast3A_215 = vector.bitcast %gather3A_213 : vector<16xi32> to vector<32xbf16>
        %mul3A_216 = arith.mulf %bitcast3A_214, %bitcast3A_215 : vector<32xbf16>
        %add3A_217 = arith.addi %scan3A_159, %and3A_74 : vector<16xi32>
        %gather3A_218 = tpu.vector_load_idx %arg9[%add3A_135, %add3A_217] : memref<80x64xi32, #tpu.memory_space<vmem>>[vector<16xi32>, vector<16xi32>], vector<16xi32>,
        %gather3A_219 = tpu.vector_load_idx %arg10[%add3A_135, %add3A_217] : memref<80x64xi32, #tpu.memory_space<vmem>>[vector<16xi32>, vector<16xi32>], vector<16xi32>,
        %bitcast3A_220 = vector.bitcast %gather3A_218 : vector<16xi32> to vector<32xbf16>
        %bitcast3A_221 = vector.bitcast %gather3A_219 : vector<16xi32> to vector<32xbf16>
        %mul3A_222 = arith.mulf %bitcast3A_220, %bitcast3A_221 : vector<32xbf16>
        %add3A_223 = arith.addf %mul3A_216, %mul3A_222 : vector<32xbf16>
        %unpack3A_224 = tpu.unpack_subelements %add3A_223, 0 {pack_format = #tpu.pack_format<interleaved>} : vector<32xbf16> -> vector<16xf32>
        %unpack3A_225 = tpu.unpack_subelements %add3A_223, 1 {pack_format = #tpu.pack_format<interleaved>} : vector<32xbf16> -> vector<16xf32>
        %add3A_226 = arith.addf %add3A_192, %unpack3A_224 : vector<16xf32>
        %add3A_227 = arith.addf %add3A_193, %unpack3A_225 : vector<16xf32>
        %add3A_228 = arith.addi %scan3A_159, %and3A_80 : vector<16xi32>
        %gather3A_229 = tpu.vector_load_idx %arg9[%add3A_135, %add3A_228] : memref<80x64xi32, #tpu.memory_space<vmem>>[vector<16xi32>, vector<16xi32>], vector<16xi32>,
        %gather3A_230 = tpu.vector_load_idx %arg10[%add3A_135, %add3A_228] : memref<80x64xi32, #tpu.memory_space<vmem>>[vector<16xi32>, vector<16xi32>], vector<16xi32>,
        %bitcast3A_231 = vector.bitcast %gather3A_229 : vector<16xi32> to vector<32xbf16>
        %bitcast3A_232 = vector.bitcast %gather3A_230 : vector<16xi32> to vector<32xbf16>
        %mul3A_233 = arith.mulf %bitcast3A_231, %bitcast3A_232 : vector<32xbf16>
        %add3A_234 = arith.addi %scan3A_159, %and3A_86 : vector<16xi32>
        %gather3A_235 = tpu.vector_load_idx %arg9[%add3A_135, %add3A_234] : memref<80x64xi32, #tpu.memory_space<vmem>>[vector<16xi32>, vector<16xi32>], vector<16xi32>,
        %gather3A_236 = tpu.vector_load_idx %arg10[%add3A_135, %add3A_234] : memref<80x64xi32, #tpu.memory_space<vmem>>[vector<16xi32>, vector<16xi32>], vector<16xi32>,
        %bitcast3A_237 = vector.bitcast %gather3A_235 : vector<16xi32> to vector<32xbf16>
        %bitcast3A_238 = vector.bitcast %gather3A_236 : vector<16xi32> to vector<32xbf16>
        %mul3A_239 = arith.mulf %bitcast3A_237, %bitcast3A_238 : vector<32xbf16>
        %add3A_240 = arith.addf %mul3A_233, %mul3A_239 : vector<32xbf16>
        %unpack3A_241 = tpu.unpack_subelements %add3A_240, 0 {pack_format = #tpu.pack_format<interleaved>} : vector<32xbf16> -> vector<16xf32>
        %unpack3A_242 = tpu.unpack_subelements %add3A_240, 1 {pack_format = #tpu.pack_format<interleaved>} : vector<32xbf16> -> vector<16xf32>
        %add3A_243 = arith.addf %add3A_209, %unpack3A_241 : vector<16xf32>
        %add3A_244 = arith.addf %add3A_210, %unpack3A_242 : vector<16xf32>
        %add3A_245 = arith.addi %scan3A_159, %and3A_92 : vector<16xi32>
        %gather3A_246 = tpu.vector_load_idx %arg9[%add3A_135, %add3A_245] : memref<80x64xi32, #tpu.memory_space<vmem>>[vector<16xi32>, vector<16xi32>], vector<16xi32>,
        %gather3A_247 = tpu.vector_load_idx %arg10[%add3A_135, %add3A_245] : memref<80x64xi32, #tpu.memory_space<vmem>>[vector<16xi32>, vector<16xi32>], vector<16xi32>,
        %bitcast3A_248 = vector.bitcast %gather3A_246 : vector<16xi32> to vector<32xbf16>
        %bitcast3A_249 = vector.bitcast %gather3A_247 : vector<16xi32> to vector<32xbf16>
        %mul3A_250 = arith.mulf %bitcast3A_248, %bitcast3A_249 : vector<32xbf16>
        %add3A_251 = arith.addi %scan3A_159, %and3A_98 : vector<16xi32>
        %gather3A_252 = tpu.vector_load_idx %arg9[%add3A_135, %add3A_251] : memref<80x64xi32, #tpu.memory_space<vmem>>[vector<16xi32>, vector<16xi32>], vector<16xi32>,
        %gather3A_253 = tpu.vector_load_idx %arg10[%add3A_135, %add3A_251] : memref<80x64xi32, #tpu.memory_space<vmem>>[vector<16xi32>, vector<16xi32>], vector<16xi32>,
        %bitcast3A_254 = vector.bitcast %gather3A_252 : vector<16xi32> to vector<32xbf16>
        %bitcast3A_255 = vector.bitcast %gather3A_253 : vector<16xi32> to vector<32xbf16>
        %mul3A_256 = arith.mulf %bitcast3A_254, %bitcast3A_255 : vector<32xbf16>
        %add3A_257 = arith.addf %mul3A_250, %mul3A_256 : vector<32xbf16>
        %unpack3A_258 = tpu.unpack_subelements %add3A_257, 0 {pack_format = #tpu.pack_format<interleaved>} : vector<32xbf16> -> vector<16xf32>
        %unpack3A_259 = tpu.unpack_subelements %add3A_257, 1 {pack_format = #tpu.pack_format<interleaved>} : vector<32xbf16> -> vector<16xf32>
        %add3A_260 = arith.addf %add3A_226, %unpack3A_258 : vector<16xf32>
        %add3A_261 = arith.addf %add3A_227, %unpack3A_259 : vector<16xf32>
        %add3A_262 = arith.addi %scan3A_159, %and3A_104 : vector<16xi32>
        %gather3A_263 = tpu.vector_load_idx %arg9[%add3A_135, %add3A_262] : memref<80x64xi32, #tpu.memory_space<vmem>>[vector<16xi32>, vector<16xi32>], vector<16xi32>,
        %gather3A_264 = tpu.vector_load_idx %arg10[%add3A_135, %add3A_262] : memref<80x64xi32, #tpu.memory_space<vmem>>[vector<16xi32>, vector<16xi32>], vector<16xi32>,
        %bitcast3A_265 = vector.bitcast %gather3A_263 : vector<16xi32> to vector<32xbf16>
        %bitcast3A_266 = vector.bitcast %gather3A_264 : vector<16xi32> to vector<32xbf16>
        %mul3A_267 = arith.mulf %bitcast3A_265, %bitcast3A_266 : vector<32xbf16>
        %add3A_268 = arith.addi %scan3A_159, %and3A_110 : vector<16xi32>
        %gather3A_269 = tpu.vector_load_idx %arg9[%add3A_135, %add3A_268] : memref<80x64xi32, #tpu.memory_space<vmem>>[vector<16xi32>, vector<16xi32>], vector<16xi32>,
        %gather3A_270 = tpu.vector_load_idx %arg10[%add3A_135, %add3A_268] : memref<80x64xi32, #tpu.memory_space<vmem>>[vector<16xi32>, vector<16xi32>], vector<16xi32>,
        %bitcast3A_271 = vector.bitcast %gather3A_269 : vector<16xi32> to vector<32xbf16>
        %bitcast3A_272 = vector.bitcast %gather3A_270 : vector<16xi32> to vector<32xbf16>
        %mul3A_273 = arith.mulf %bitcast3A_271, %bitcast3A_272 : vector<32xbf16>
        %add3A_274 = arith.addf %mul3A_267, %mul3A_273 : vector<32xbf16>
        %unpack3A_275 = tpu.unpack_subelements %add3A_274, 0 {pack_format = #tpu.pack_format<interleaved>} : vector<32xbf16> -> vector<16xf32>
        %unpack3A_276 = tpu.unpack_subelements %add3A_274, 1 {pack_format = #tpu.pack_format<interleaved>} : vector<32xbf16> -> vector<16xf32>
        %add3A_277 = arith.addf %add3A_243, %unpack3A_275 : vector<16xf32>
        %add3A_278 = arith.addf %add3A_244, %unpack3A_276 : vector<16xf32>
        %add3A_279 = arith.addi %scan3A_159, %and3A_116 : vector<16xi32>
        %gather3A_280 = tpu.vector_load_idx %arg9[%add3A_135, %add3A_279] : memref<80x64xi32, #tpu.memory_space<vmem>>[vector<16xi32>, vector<16xi32>], vector<16xi32>,
        %gather3A_281 = tpu.vector_load_idx %arg10[%add3A_135, %add3A_279] : memref<80x64xi32, #tpu.memory_space<vmem>>[vector<16xi32>, vector<16xi32>], vector<16xi32>,
        %bitcast3A_282 = vector.bitcast %gather3A_280 : vector<16xi32> to vector<32xbf16>
        %bitcast3A_283 = vector.bitcast %gather3A_281 : vector<16xi32> to vector<32xbf16>
        %mul3A_284 = arith.mulf %bitcast3A_282, %bitcast3A_283 : vector<32xbf16>
        %add3A_285 = arith.addi %scan3A_159, %and3A_122 : vector<16xi32>
        %gather3A_286 = tpu.vector_load_idx %arg9[%add3A_135, %add3A_285] : memref<80x64xi32, #tpu.memory_space<vmem>>[vector<16xi32>, vector<16xi32>], vector<16xi32>,
        %gather3A_287 = tpu.vector_load_idx %arg10[%add3A_135, %add3A_285] : memref<80x64xi32, #tpu.memory_space<vmem>>[vector<16xi32>, vector<16xi32>], vector<16xi32>,
        %bitcast3A_288 = vector.bitcast %gather3A_286 : vector<16xi32> to vector<32xbf16>
        %bitcast3A_289 = vector.bitcast %gather3A_287 : vector<16xi32> to vector<32xbf16>
        %mul3A_290 = arith.mulf %bitcast3A_288, %bitcast3A_289 : vector<32xbf16>
        %add3A_291 = arith.addf %mul3A_284, %mul3A_290 : vector<32xbf16>
        %unpack3A_292 = tpu.unpack_subelements %add3A_291, 0 {pack_format = #tpu.pack_format<interleaved>} : vector<32xbf16> -> vector<16xf32>
        %unpack3A_293 = tpu.unpack_subelements %add3A_291, 1 {pack_format = #tpu.pack_format<interleaved>} : vector<32xbf16> -> vector<16xf32>
        %add3A_294 = arith.addf %add3A_260, %unpack3A_292 : vector<16xf32>
        %add3A_295 = arith.addf %add3A_261, %unpack3A_293 : vector<16xf32>
        %add3A_296 = arith.addi %add3A_162, %and3A_32 : vector<16xi32>
        %gather3A_297 = tpu.vector_load_idx %arg9[%add3A_135, %add3A_296] : memref<80x64xi32, #tpu.memory_space<vmem>>[vector<16xi32>, vector<16xi32>], vector<16xi32>,
        %gather3A_298 = tpu.vector_load_idx %arg10[%add3A_135, %add3A_296] : memref<80x64xi32, #tpu.memory_space<vmem>>[vector<16xi32>, vector<16xi32>], vector<16xi32>,
        %bitcast3A_299 = vector.bitcast %gather3A_297 : vector<16xi32> to vector<32xbf16>
        %bitcast3A_300 = vector.bitcast %gather3A_298 : vector<16xi32> to vector<32xbf16>
        %mul3A_301 = arith.mulf %bitcast3A_299, %bitcast3A_300 : vector<32xbf16>
        %add3A_302 = arith.addi %add3A_162, %and3A_38 : vector<16xi32>
        %gather3A_303 = tpu.vector_load_idx %arg9[%add3A_135, %add3A_302] : memref<80x64xi32, #tpu.memory_space<vmem>>[vector<16xi32>, vector<16xi32>], vector<16xi32>,
        %gather3A_304 = tpu.vector_load_idx %arg10[%add3A_135, %add3A_302] : memref<80x64xi32, #tpu.memory_space<vmem>>[vector<16xi32>, vector<16xi32>], vector<16xi32>,
        %bitcast3A_305 = vector.bitcast %gather3A_303 : vector<16xi32> to vector<32xbf16>
        %bitcast3A_306 = vector.bitcast %gather3A_304 : vector<16xi32> to vector<32xbf16>
        %mul3A_307 = arith.mulf %bitcast3A_305, %bitcast3A_306 : vector<32xbf16>
        %add3A_308 = arith.addf %mul3A_301, %mul3A_307 : vector<32xbf16>
        %unpack3A_309 = tpu.unpack_subelements %add3A_308, 0 {pack_format = #tpu.pack_format<interleaved>} : vector<32xbf16> -> vector<16xf32>
        %unpack3A_310 = tpu.unpack_subelements %add3A_308, 1 {pack_format = #tpu.pack_format<interleaved>} : vector<32xbf16> -> vector<16xf32>
        %add3A_311 = arith.addf %add3A_277, %unpack3A_309 : vector<16xf32>
        %add3A_312 = arith.addf %add3A_278, %unpack3A_310 : vector<16xf32>
        %add3A_313 = arith.addi %add3A_162, %and3A_44 : vector<16xi32>
        %gather3A_314 = tpu.vector_load_idx %arg9[%add3A_135, %add3A_313] : memref<80x64xi32, #tpu.memory_space<vmem>>[vector<16xi32>, vector<16xi32>], vector<16xi32>,
        %gather3A_315 = tpu.vector_load_idx %arg10[%add3A_135, %add3A_313] : memref<80x64xi32, #tpu.memory_space<vmem>>[vector<16xi32>, vector<16xi32>], vector<16xi32>,
        %bitcast3A_316 = vector.bitcast %gather3A_314 : vector<16xi32> to vector<32xbf16>
        %bitcast3A_317 = vector.bitcast %gather3A_315 : vector<16xi32> to vector<32xbf16>
        %mul3A_318 = arith.mulf %bitcast3A_316, %bitcast3A_317 : vector<32xbf16>
        %add3A_319 = arith.addi %add3A_162, %and3A_50 : vector<16xi32>
        %gather3A_320 = tpu.vector_load_idx %arg9[%add3A_135, %add3A_319] : memref<80x64xi32, #tpu.memory_space<vmem>>[vector<16xi32>, vector<16xi32>], vector<16xi32>,
        %gather3A_321 = tpu.vector_load_idx %arg10[%add3A_135, %add3A_319] : memref<80x64xi32, #tpu.memory_space<vmem>>[vector<16xi32>, vector<16xi32>], vector<16xi32>,
        %bitcast3A_322 = vector.bitcast %gather3A_320 : vector<16xi32> to vector<32xbf16>
        %bitcast3A_323 = vector.bitcast %gather3A_321 : vector<16xi32> to vector<32xbf16>
        %mul3A_324 = arith.mulf %bitcast3A_322, %bitcast3A_323 : vector<32xbf16>
        %add3A_325 = arith.addf %mul3A_318, %mul3A_324 : vector<32xbf16>
        %unpack3A_326 = tpu.unpack_subelements %add3A_325, 0 {pack_format = #tpu.pack_format<interleaved>} : vector<32xbf16> -> vector<16xf32>
        %unpack3A_327 = tpu.unpack_subelements %add3A_325, 1 {pack_format = #tpu.pack_format<interleaved>} : vector<32xbf16> -> vector<16xf32>
        %add3A_328 = arith.addf %add3A_294, %unpack3A_326 : vector<16xf32>
        %add3A_329 = arith.addf %add3A_295, %unpack3A_327 : vector<16xf32>
        %add3A_330 = arith.addi %add3A_162, %and3A_56 : vector<16xi32>
        %gather3A_331 = tpu.vector_load_idx %arg9[%add3A_135, %add3A_330] : memref<80x64xi32, #tpu.memory_space<vmem>>[vector<16xi32>, vector<16xi32>], vector<16xi32>,
        %gather3A_332 = tpu.vector_load_idx %arg10[%add3A_135, %add3A_330] : memref<80x64xi32, #tpu.memory_space<vmem>>[vector<16xi32>, vector<16xi32>], vector<16xi32>,
        %bitcast3A_333 = vector.bitcast %gather3A_331 : vector<16xi32> to vector<32xbf16>
        %bitcast3A_334 = vector.bitcast %gather3A_332 : vector<16xi32> to vector<32xbf16>
        %mul3A_335 = arith.mulf %bitcast3A_333, %bitcast3A_334 : vector<32xbf16>
        %add3A_336 = arith.addi %add3A_162, %and3A_62 : vector<16xi32>
        %gather3A_337 = tpu.vector_load_idx %arg9[%add3A_135, %add3A_336] : memref<80x64xi32, #tpu.memory_space<vmem>>[vector<16xi32>, vector<16xi32>], vector<16xi32>,
        %gather3A_338 = tpu.vector_load_idx %arg10[%add3A_135, %add3A_336] : memref<80x64xi32, #tpu.memory_space<vmem>>[vector<16xi32>, vector<16xi32>], vector<16xi32>,
        %bitcast3A_339 = vector.bitcast %gather3A_337 : vector<16xi32> to vector<32xbf16>
        %bitcast3A_340 = vector.bitcast %gather3A_338 : vector<16xi32> to vector<32xbf16>
        %mul3A_341 = arith.mulf %bitcast3A_339, %bitcast3A_340 : vector<32xbf16>
        %add3A_342 = arith.addf %mul3A_335, %mul3A_341 : vector<32xbf16>
        %unpack3A_343 = tpu.unpack_subelements %add3A_342, 0 {pack_format = #tpu.pack_format<interleaved>} : vector<32xbf16> -> vector<16xf32>
        %unpack3A_344 = tpu.unpack_subelements %add3A_342, 1 {pack_format = #tpu.pack_format<interleaved>} : vector<32xbf16> -> vector<16xf32>
        %add3A_345 = arith.addf %add3A_311, %unpack3A_343 : vector<16xf32>
        %add3A_346 = arith.addf %add3A_312, %unpack3A_344 : vector<16xf32>
        %add3A_347 = arith.addi %add3A_162, %and3A_68 : vector<16xi32>
        %gather3A_348 = tpu.vector_load_idx %arg9[%add3A_135, %add3A_347] : memref<80x64xi32, #tpu.memory_space<vmem>>[vector<16xi32>, vector<16xi32>], vector<16xi32>,
        %gather3A_349 = tpu.vector_load_idx %arg10[%add3A_135, %add3A_347] : memref<80x64xi32, #tpu.memory_space<vmem>>[vector<16xi32>, vector<16xi32>], vector<16xi32>,
        %bitcast3A_350 = vector.bitcast %gather3A_348 : vector<16xi32> to vector<32xbf16>
        %bitcast3A_351 = vector.bitcast %gather3A_349 : vector<16xi32> to vector<32xbf16>
        %mul3A_352 = arith.mulf %bitcast3A_350, %bitcast3A_351 : vector<32xbf16>
        %add3A_353 = arith.addi %add3A_162, %and3A_74 : vector<16xi32>
        %gather3A_354 = tpu.vector_load_idx %arg9[%add3A_135, %add3A_353] : memref<80x64xi32, #tpu.memory_space<vmem>>[vector<16xi32>, vector<16xi32>], vector<16xi32>,
        %gather3A_355 = tpu.vector_load_idx %arg10[%add3A_135, %add3A_353] : memref<80x64xi32, #tpu.memory_space<vmem>>[vector<16xi32>, vector<16xi32>], vector<16xi32>,
        %bitcast3A_356 = vector.bitcast %gather3A_354 : vector<16xi32> to vector<32xbf16>
        %bitcast3A_357 = vector.bitcast %gather3A_355 : vector<16xi32> to vector<32xbf16>
        %mul3A_358 = arith.mulf %bitcast3A_356, %bitcast3A_357 : vector<32xbf16>
        %add3A_359 = arith.addf %mul3A_352, %mul3A_358 : vector<32xbf16>
        %unpack3A_360 = tpu.unpack_subelements %add3A_359, 0 {pack_format = #tpu.pack_format<interleaved>} : vector<32xbf16> -> vector<16xf32>
        %unpack3A_361 = tpu.unpack_subelements %add3A_359, 1 {pack_format = #tpu.pack_format<interleaved>} : vector<32xbf16> -> vector<16xf32>
        %add3A_362 = arith.addf %add3A_328, %unpack3A_360 : vector<16xf32>
        %add3A_363 = arith.addf %add3A_329, %unpack3A_361 : vector<16xf32>
        %add3A_364 = arith.addi %add3A_162, %and3A_80 : vector<16xi32>
        %gather3A_365 = tpu.vector_load_idx %arg9[%add3A_135, %add3A_364] : memref<80x64xi32, #tpu.memory_space<vmem>>[vector<16xi32>, vector<16xi32>], vector<16xi32>,
        %gather3A_366 = tpu.vector_load_idx %arg10[%add3A_135, %add3A_364] : memref<80x64xi32, #tpu.memory_space<vmem>>[vector<16xi32>, vector<16xi32>], vector<16xi32>,
        %bitcast3A_367 = vector.bitcast %gather3A_365 : vector<16xi32> to vector<32xbf16>
        %bitcast3A_368 = vector.bitcast %gather3A_366 : vector<16xi32> to vector<32xbf16>
        %mul3A_369 = arith.mulf %bitcast3A_367, %bitcast3A_368 : vector<32xbf16>
        %add3A_370 = arith.addi %add3A_162, %and3A_86 : vector<16xi32>
        %gather3A_371 = tpu.vector_load_idx %arg9[%add3A_135, %add3A_370] : memref<80x64xi32, #tpu.memory_space<vmem>>[vector<16xi32>, vector<16xi32>], vector<16xi32>,
        %gather3A_372 = tpu.vector_load_idx %arg10[%add3A_135, %add3A_370] : memref<80x64xi32, #tpu.memory_space<vmem>>[vector<16xi32>, vector<16xi32>], vector<16xi32>,
        %bitcast3A_373 = vector.bitcast %gather3A_371 : vector<16xi32> to vector<32xbf16>
        %bitcast3A_374 = vector.bitcast %gather3A_372 : vector<16xi32> to vector<32xbf16>
        %mul3A_375 = arith.mulf %bitcast3A_373, %bitcast3A_374 : vector<32xbf16>
        %add3A_376 = arith.addf %mul3A_369, %mul3A_375 : vector<32xbf16>
        %unpack3A_377 = tpu.unpack_subelements %add3A_376, 0 {pack_format = #tpu.pack_format<interleaved>} : vector<32xbf16> -> vector<16xf32>
        %unpack3A_378 = tpu.unpack_subelements %add3A_376, 1 {pack_format = #tpu.pack_format<interleaved>} : vector<32xbf16> -> vector<16xf32>
        %add3A_379 = arith.addf %add3A_345, %unpack3A_377 : vector<16xf32>
        %add3A_380 = arith.addf %add3A_346, %unpack3A_378 : vector<16xf32>
        %add3A_381 = arith.addi %add3A_162, %and3A_92 : vector<16xi32>
        %gather3A_382 = tpu.vector_load_idx %arg9[%add3A_135, %add3A_381] : memref<80x64xi32, #tpu.memory_space<vmem>>[vector<16xi32>, vector<16xi32>], vector<16xi32>,
        %gather3A_383 = tpu.vector_load_idx %arg10[%add3A_135, %add3A_381] : memref<80x64xi32, #tpu.memory_space<vmem>>[vector<16xi32>, vector<16xi32>], vector<16xi32>,
        %bitcast3A_384 = vector.bitcast %gather3A_382 : vector<16xi32> to vector<32xbf16>
        %bitcast3A_385 = vector.bitcast %gather3A_383 : vector<16xi32> to vector<32xbf16>
        %mul3A_386 = arith.mulf %bitcast3A_384, %bitcast3A_385 : vector<32xbf16>
        %add3A_387 = arith.addi %add3A_162, %and3A_98 : vector<16xi32>
        %gather3A_388 = tpu.vector_load_idx %arg9[%add3A_135, %add3A_387] : memref<80x64xi32, #tpu.memory_space<vmem>>[vector<16xi32>, vector<16xi32>], vector<16xi32>,
        %gather3A_389 = tpu.vector_load_idx %arg10[%add3A_135, %add3A_387] : memref<80x64xi32, #tpu.memory_space<vmem>>[vector<16xi32>, vector<16xi32>], vector<16xi32>,
        %bitcast3A_390 = vector.bitcast %gather3A_388 : vector<16xi32> to vector<32xbf16>
        %bitcast3A_391 = vector.bitcast %gather3A_389 : vector<16xi32> to vector<32xbf16>
        %mul3A_392 = arith.mulf %bitcast3A_390, %bitcast3A_391 : vector<32xbf16>
        %add3A_393 = arith.addf %mul3A_386, %mul3A_392 : vector<32xbf16>
        %unpack3A_394 = tpu.unpack_subelements %add3A_393, 0 {pack_format = #tpu.pack_format<interleaved>} : vector<32xbf16> -> vector<16xf32>
        %unpack3A_395 = tpu.unpack_subelements %add3A_393, 1 {pack_format = #tpu.pack_format<interleaved>} : vector<32xbf16> -> vector<16xf32>
        %add3A_396 = arith.addf %add3A_362, %unpack3A_394 : vector<16xf32>
        %add3A_397 = arith.addf %add3A_363, %unpack3A_395 : vector<16xf32>
        %add3A_398 = arith.addi %add3A_162, %and3A_104 : vector<16xi32>
        %gather3A_399 = tpu.vector_load_idx %arg9[%add3A_135, %add3A_398] : memref<80x64xi32, #tpu.memory_space<vmem>>[vector<16xi32>, vector<16xi32>], vector<16xi32>,
        %gather3A_400 = tpu.vector_load_idx %arg10[%add3A_135, %add3A_398] : memref<80x64xi32, #tpu.memory_space<vmem>>[vector<16xi32>, vector<16xi32>], vector<16xi32>,
        %bitcast3A_401 = vector.bitcast %gather3A_399 : vector<16xi32> to vector<32xbf16>
        %bitcast3A_402 = vector.bitcast %gather3A_400 : vector<16xi32> to vector<32xbf16>
        %mul3A_403 = arith.mulf %bitcast3A_401, %bitcast3A_402 : vector<32xbf16>
        %add3A_404 = arith.addi %add3A_162, %and3A_110 : vector<16xi32>
        %gather3A_405 = tpu.vector_load_idx %arg9[%add3A_135, %add3A_404] : memref<80x64xi32, #tpu.memory_space<vmem>>[vector<16xi32>, vector<16xi32>], vector<16xi32>,
        %gather3A_406 = tpu.vector_load_idx %arg10[%add3A_135, %add3A_404] : memref<80x64xi32, #tpu.memory_space<vmem>>[vector<16xi32>, vector<16xi32>], vector<16xi32>,
        %bitcast3A_407 = vector.bitcast %gather3A_405 : vector<16xi32> to vector<32xbf16>
        %bitcast3A_408 = vector.bitcast %gather3A_406 : vector<16xi32> to vector<32xbf16>
        %mul3A_409 = arith.mulf %bitcast3A_407, %bitcast3A_408 : vector<32xbf16>
        %add3A_410 = arith.addf %mul3A_403, %mul3A_409 : vector<32xbf16>
        %unpack3A_411 = tpu.unpack_subelements %add3A_410, 0 {pack_format = #tpu.pack_format<interleaved>} : vector<32xbf16> -> vector<16xf32>
        %unpack3A_412 = tpu.unpack_subelements %add3A_410, 1 {pack_format = #tpu.pack_format<interleaved>} : vector<32xbf16> -> vector<16xf32>
        %add3A_413 = arith.addf %add3A_379, %unpack3A_411 : vector<16xf32>
        %add3A_414 = arith.addf %add3A_380, %unpack3A_412 : vector<16xf32>
        %add3A_415 = arith.addi %add3A_162, %and3A_116 : vector<16xi32>
        %gather3A_416 = tpu.vector_load_idx %arg9[%add3A_135, %add3A_415] : memref<80x64xi32, #tpu.memory_space<vmem>>[vector<16xi32>, vector<16xi32>], vector<16xi32>,
        %gather3A_417 = tpu.vector_load_idx %arg10[%add3A_135, %add3A_415] : memref<80x64xi32, #tpu.memory_space<vmem>>[vector<16xi32>, vector<16xi32>], vector<16xi32>,
        %bitcast3A_418 = vector.bitcast %gather3A_416 : vector<16xi32> to vector<32xbf16>
        %bitcast3A_419 = vector.bitcast %gather3A_417 : vector<16xi32> to vector<32xbf16>
        %mul3A_420 = arith.mulf %bitcast3A_418, %bitcast3A_419 : vector<32xbf16>
        %add3A_421 = arith.addi %add3A_162, %and3A_122 : vector<16xi32>
        %gather3A_422 = tpu.vector_load_idx %arg9[%add3A_135, %add3A_421] : memref<80x64xi32, #tpu.memory_space<vmem>>[vector<16xi32>, vector<16xi32>], vector<16xi32>,
        %gather3A_423 = tpu.vector_load_idx %arg10[%add3A_135, %add3A_421] : memref<80x64xi32, #tpu.memory_space<vmem>>[vector<16xi32>, vector<16xi32>], vector<16xi32>,
        %bitcast3A_424 = vector.bitcast %gather3A_422 : vector<16xi32> to vector<32xbf16>
        %bitcast3A_425 = vector.bitcast %gather3A_423 : vector<16xi32> to vector<32xbf16>
        %mul3A_426 = arith.mulf %bitcast3A_424, %bitcast3A_425 : vector<32xbf16>
        %add3A_427 = arith.addf %mul3A_420, %mul3A_426 : vector<32xbf16>
        %unpack3A_428 = tpu.unpack_subelements %add3A_427, 0 {pack_format = #tpu.pack_format<interleaved>} : vector<32xbf16> -> vector<16xf32>
        %unpack3A_429 = tpu.unpack_subelements %add3A_427, 1 {pack_format = #tpu.pack_format<interleaved>} : vector<32xbf16> -> vector<16xf32>
        %add3A_430 = arith.addf %add3A_396, %unpack3A_428 : vector<16xf32>
        %add3A_431 = arith.addf %add3A_397, %unpack3A_429 : vector<16xf32>
        %add3A_432 = arith.constant 32 : i32
        %add3A_433 = vector.broadcast %add3A_432 : i32 to vector<16xi32>
        %add3A_434 = arith.addi %scan3A_159, %add3A_433 : vector<16xi32>
        scf.yield %add3A_413, %add3A_430, %add3A_414, %add3A_431, %add3A_434 : vector<16xf32>, vector<16xf32>, vector<16xf32>, vector<16xf32>, vector<16xi32>
      }
      %scan3A_144 = arith.constant 2 : i32
      %add3A_145 = arith.addf %scan3A_143#0, %scan3A_143#1 : vector<16xf32>
      %add3A_146 = arith.addf %scan3A_143#2, %scan3A_143#3 : vector<16xf32>
      %add3A_147 = arith.addf %add3A_145, %add3A_146 : vector<16xf32>
      %mul3A_148 = arith.constant 16 : i32
      %mul3A_149 = arith.muli %scan3A_130, %mul3A_148 : i32
      %add3A_150 = arith.constant 9920 : i32
      %add3A_151 = arith.addi %add3A_150, %mul3A_149 : i32
      %swap3A = arith.index_cast %add3A_151 : i32 to index
      %swap3A_152 = tpu.vector_load %arg8[%swap3A] {strides = array<i32>} : memref<10000xf32, #tpu.memory_space<vmem>>, vector<16xf32>,
      tpu.vector_store %arg8[%swap3A], %add3A_147 {strides = array<i32>} : memref<10000xf32, #tpu.memory_space<vmem>>, vector<16xf32>,
      %scan3A_153 = arith.constant 0 : i32
      scf.yield %scan3A_153 : i32
    }
    %scan3A_129 = arith.constant 5 : i32
    "tpu.region"() ({
      %run_scoped3A_130 = tpu.sem_alloc : memref<!tpu.dma_semaphore, #tpu.memory_space<semaphore_mem>>
      %dma_start3A_131 = tpu.memref_slice %arg5[%mul3A_2] : memref<320000xf32, #tpu.memory_space<hbm>> -> memref<10000xf32, #tpu.memory_space<hbm>>
      %dma_start3A_132 = tpu.memref_slice %arg5[%mul3A_2] : memref<320000xf32, #tpu.memory_space<hbm>> -> memref<10000xf32, #tpu.memory_space<hbm>>
      tpu.enqueue_dma source(%arg8 : memref<10000xf32, #tpu.memory_space<vmem>>) target(%dma_start3A_132 : memref<10000xf32, #tpu.memory_space<hbm>>) target_semaphore(%run_scoped3A_130 : memref<!tpu.dma_semaphore, #tpu.memory_space<semaphore_mem>>)
      %dma_wait3A_133 = tpu.memref_slice %arg5[%mul3A_2] : memref<320000xf32, #tpu.memory_space<hbm>> -> memref<10000xf32, #tpu.memory_space<hbm>>
      %dma_wait3A_134 = tpu.memref_slice %arg5[%mul3A_2] : memref<320000xf32, #tpu.memory_space<hbm>> -> memref<10000xf32, #tpu.memory_space<hbm>>
      tpu.wait_dma2 semaphore(%run_scoped3A_130 : memref<!tpu.dma_semaphore, #tpu.memory_space<semaphore_mem>>) src(%arg8 : memref<10000xf32, #tpu.memory_space<vmem>>) dst(%dma_wait3A_134 : memref<10000xf32, #tpu.memory_space<hbm>>)
      tpu.yield
    }) : () -> ()
    return
  }
}

</mosaic_0001>

<sc_bundles>
// kernel: _run.3.cloned.1.call-start
scs
__scs_entry_jumppad:
0x0: {  	(pc) =	sbr.rel $0x88, $3  }
0x1: {  	(tag) =	ssettag $0x0;
	lr =	simm.s32 $0x1  }
0x2: {  	[smem:$0x3F9E] =	sst lr;
	_ =	strace $0xD0000000  }
0x3: {  	_ = 	snop  }
0x4: {  	_ = 	snop  }
0x5: {  	_ = 	snop  }
0x6: {  	_ = 	snop  }
0x7: {  	_ = 	snop  }
__scs_overlays_trampoline_lowered:
0x8: {  	[smem:$0x3FAD] =	sst s0  }
0x9: {  	[smem:$0x3FAE] =	sst s1  }
0xa: {  	[smem:$0x3FAF] =	sst s2  }
0xb: {  	[smem:$0x3FB0] =	sst s3  }
0xc: {  	[smem:$0x3FB1] =	sst s4  }
0xd: {  	[smem:$0x3FB2] =	sst s5  }
0xe: {  	[smem:$0x3FB3] =	sst s6  }
0xf: {  	[smem:$0x3FB4] =	sst s7  }
0x10: {  	[smem:$0x3FB5] =	sst s8  }
0x11: {  	[smem:$0x3FB6] =	sst s9;
	s0 =	simm.s32 @!p0 $0x0  }
0x12: {  	s1 =	sld [smem:$0x3F9C];
	s0 =	simm.s32 @p0 $0x1  }
0x13: {  	[smem:$0x3FB7] =	sst s0;
	s0 =	simm.s32 @!p1 $0x0  }
0x14: {  	s2 =	sld [smem:$0x3F9B];
	s0 =	simm.s32 @p1 $0x1  }
0x15: {  	[smem:$0x3FB8] =	sst s0;
	s0 =	simm.s32 @!p2 $0x0  }
0x16: {  	s3 =	sld [smem:$0x3FDB];
	s0 =	simm.s32 @p2 $0x1  }
0x17: {  	s4 =	simm.s32 $0x1BF5;
	[smem:$0x3FBA] =	sst s0  }
0x18: {  	s0 =	sld [smem:$0x3F9D];
	_ =	swait.ge [sflag:s4], $0x0  }
0x19: {  	s7 =	sld [smem:$0x3F9E]  }
0x1a: {  	s8 =	sadd.s32 $0xFFFFE003, lr  }
0x1b: {  	s9 =	sadd.s32 $0xFFFFFEF7, lr;
	s5 =	simm.s32 $0xFFFFFFFF;
	p2 =	slt.u32 s8, $0xFFFFF086  }
0x1c: {  	p1 =	slt.u32 s9, $0xF7A;
	s5 =	simm.s32 @!p2 $0x0  }
0x1d: {  	s5 =	simm.s32 @p1 $0x1;
	p0 =	seq.s32 s7, s2  }
0x1e: {  	s7 =	smul.u32 @!p0 $0xF7A, s2;
	p2 =	seq.s32 @!p0 s5, $0x0  }
0x1f: {  	s9 =	smul.u32 $0xF7A, s1;
	s8 =	simm.s32 @!p0 $0x1BF5;
	p2 =	por !p2, p0  }
0x20: {  	[sflag:s8] =	ssyncset.s32 @!p0 $0xFFFFF086;
	s6 =	sadd.s32 @!p0 s3, s7;
	s7 =	simm.s32 @!p0 $0x108  }
0x21: {  	s3 =	sadd.s32 s3, s9;
	s6 =	sadd.s32 @!p0 $0x88, s6;
	s7 =	simm.s32 @p2 $0x1082  }
0x22: {  	[simem:s7], [sflag:s8] =	dma.local @!p0 [hbm:s6], $0xF7A  }
0x23: {  	s9 =	sor.u32 $0xD0000000, s2;
	s6 =	simm.s32 $0x108;
	_ =	swait.ge @!p0 [sflag:s8], $0x0  }
0x24: {  	s3 =	sadd.s32 $0x88, s3;
	s6 =	simm.s32 @!p1 $0x1082;
	[sflag:s4] =	ssyncset.s32 $0xFFFFF086  }
0x25: {  	[simem:s6], [sflag:s4] =	dma.local [hbm:s3], $0xF7A  }
0x26: {  	[smem:$0x3F9E] =	sst s1;
	(tag) =	ssettag s2;
	_ =	strace s9  }
0x27: {  	s1 =	sld [smem:$0x3FAE]  }
0x28: {  	s2 =	sld [smem:$0x3FAF]  }
0x29: {  	s4 =	sld [smem:$0x3FB1]  }
0x2a: {  	p0 =	seq.s32 s5, $0x0;
	s5 =	sld [smem:$0x3FB2]  }
0x2b: {  	s6 =	sld [smem:$0x3FB3]  }
0x2c: {  	s7 =	sld [smem:$0x3FB4]  }
0x2d: {  	s3 =	simm.s32 $0x108;
	s8 =	sld [smem:$0x3FB5]  }
0x2e: {  	s3 =	simm.s32 @!p0 $0x1082;
	s9 =	sld [smem:$0x3FB6]  }
0x2f: {  	lr =	sadd.s32 s0, s3;
	s0 =	sld [smem:$0x3FAD]  }
0x30: {  	s3 =	sld [smem:$0x3FB0]  }
0x31: {  	[smem:$0x3FB9] =	sst s10  }
0x32: {  	s10 =	sld [smem:$0x3FB7];
	_ =	sdelay $0x3  }
0x33: {  	p0 =	seq.s32 s10, $0x1;
	s10 =	sld [smem:$0x3FB9];
	_ =	sdelay $0x3  }
0x34: {  	[smem:$0x3FB9] =	sst s10  }
0x35: {  	s10 =	sld [smem:$0x3FB8];
	_ =	sdelay $0x3  }
0x36: {  	p1 =	seq.s32 s10, $0x1;
	s10 =	sld [smem:$0x3FB9];
	_ =	sdelay $0x3  }
0x37: {  	[smem:$0x3FB9] =	sst s10  }
0x38: {  	s10 =	sld [smem:$0x3FBA]  }
0x39: {  	_ = 	snop;
	(pc) =	sbr.ind lr, $3  }
0x3a: {  	_ = 	snop  }
0x3b: {  	_ = 	snop  }
0x3c: {  	p2 =	seq.s32 s10, $0x1;
	s10 =	sld [smem:$0x3FB9]  }
0x3d: {  	_ =	shalt  }
0x3e: {  	_ =	shalt  }
0x3f: {  	_ =	shalt  }
0x40: {  	_ =	shalt  }
0x41: {  	_ =	shalt  }
0x42: {  	_ =	shalt  }
0x43: {  	_ =	shalt  }
0x44: {  	_ =	shalt  }
0x45: {  	_ =	shalt  }
0x46: {  	_ =	shalt  }
0x47: {  	_ =	shalt  }
0x48: {  	_ =	shalt  }
0x49: {  	_ =	shalt  }
0x4a: {  	_ =	shalt  }
0x4b: {  	_ =	shalt  }
0x4c: {  	_ =	shalt  }
0x4d: {  	_ =	shalt  }
0x4e: {  	_ =	shalt  }
0x4f: {  	_ =	shalt  }
0x50: {  	_ =	shalt  }
0x51: {  	_ =	shalt  }
0x52: {  	_ =	shalt  }
0x53: {  	_ =	shalt  }
0x54: {  	_ =	shalt  }
0x55: {  	_ =	shalt  }
0x56: {  	_ =	shalt  }
0x57: {  	_ =	shalt  }
0x58: {  	_ =	shalt  }
0x59: {  	_ =	shalt  }
0x5a: {  	_ =	shalt  }
0x5b: {  	_ =	shalt  }
0x5c: {  	_ =	shalt  }
0x5d: {  	_ =	shalt  }
0x5e: {  	_ =	shalt  }
0x5f: {  	_ =	shalt  }
0x60: {  	_ =	shalt  }
0x61: {  	_ =	shalt  }
0x62: {  	_ =	shalt  }
0x63: {  	_ =	shalt  }
0x64: {  	_ =	shalt  }
0x65: {  	_ =	shalt  }
0x66: {  	_ =	shalt  }
0x67: {  	_ =	shalt  }
0x68: {  	_ =	shalt  }
0x69: {  	_ =	shalt  }
0x6a: {  	_ =	shalt  }
0x6b: {  	_ =	shalt  }
0x6c: {  	_ =	shalt  }
0x6d: {  	_ =	shalt  }
0x6e: {  	_ =	shalt  }
0x6f: {  	_ =	shalt  }
0x70: {  	_ =	shalt  }
0x71: {  	_ =	shalt  }
0x72: {  	_ =	shalt  }
0x73: {  	_ =	shalt  }
0x74: {  	_ =	shalt  }
0x75: {  	_ =	shalt  }
0x76: {  	_ =	shalt  }
0x77: {  	_ =	shalt  }
0x78: {  	_ =	shalt  }
0x79: {  	_ =	shalt  }
0x7a: {  	_ =	shalt  }
0x7b: {  	_ =	shalt  }
0x7c: {  	_ =	shalt  }
0x7d: {  	_ =	shalt  }
0x7e: {  	_ =	shalt  }
0x7f: {  	_ =	shalt  }
0x80: {  	_ =	shalt  }
0x81: {  	_ =	shalt  }
0x82: {  	_ =	shalt  }
0x83: {  	_ =	shalt  }
0x84: {  	_ =	shalt  }
0x85: {  	_ =	shalt  }
0x86: {  	_ =	shalt  }
0x87: {  	_ =	shalt  }
.Lfunc_end0:
.L_simem_size_0:
called_computation_lowered:
.L_overlay_start_0:
0x88: {  	s2 =	sld [smem:$0x3FD9]  }
0x89: {  	s3 =	sld [smem:$0x3FFE];
	_ =	sdelay $0x1  }
0x8a: {  	s1 =	srdreg.scid  }
0x8b: {  	s0 =	sand.u32 $0x1, s1  }
0x8c: {  	s17 =	sshll.u32 s0, $0xA;
	s2 =	sadd.s32 s3, s2  }
0x8d: {  	s2 =	sadd.s32 s2, s17  }
0x8e: {  	[smem:$0x3FC5] =	sst s2  }
0x8f: {  	_ = 	snop  }
0x90: {  	s2 =	sld [smem:$0x3FD0];
	(tm) =	ssettm $0x1  }
0x91: {  	s18 =	sld [smem:$0x3FFB];
	_ =	sdelay $0x3  }
0x92: {  	_ =	strace s18  }
0x93: {  	s3 =	sld [smem:$0x3FFC];
	_ =	sdelay $0x3  }
0x94: {  	_ =	strace s3  }
0x95: {  	s3 =	sld [smem:$0x3FFD];
	_ =	sdelay $0x3  }
0x96: {  	_ =	strace s3  }
0x97: {  	_ =	strace $0x8FFFFFFF  }
0x98: {  	s19 =	sld [smem:$0x3FDB];
	_ =	sdelay $0x1  }
0x99: {  	s4 =	simm.s32 $_scs_section_size  }
0x9a: {  	s5 =	simm.s32 $_size__tile_overlayer_lowered;
	s6 =	simm.s32 $_tile_overlayer_lowered  }
0x9b: {  	s22 =	simm.s32 $0x1BFF;
	s21 =	sshll.u32 s6, $0x1;
	s3 =	sadd.s32 s4, s19  }
0x9c: {  	s7 =	simm.s32 $0x0;
	s20 =	sshll.u32 s5, $0x1;
	s5 =	sadd.s32 s21, s3  }
0x9d: {  	[timem:s7], [sflag:s22] =	dma.local [hbm:s5], s20  }
0x9e: {  	_ =	swait.ge [sflag:s22], s20  }
0x9f: {  	s4 =	ssub.s32 $0x0, s20;
	[sflag:s22] =	ssyncset.done $0x0  }
0xa0: {  	[sflag:s22] =	ssyncadd.s32 s4;
	_ =	sdelay $0x1  }
0xa1: {  	s23 =	simm.s32 $0x1B8B  }
0xa2: {  	_ =	swait.ge [sflag:s23], $0x1  }
0xa3: {  	[sflag:s23] =	ssyncset.done $0x0  }
0xa4: {  	s25 =	simm.s32 $0x1B8E;
	s24 =	sld [smem:$0x3FFE];
	[sflag:s23] =	ssyncadd.s32 $0xFFFFFFFF  }
0xa5: {  	s26 =	simm.s32 $execute0_lowered;
	[smem:$0x3FD2] =	sst s25  }
0xa6: {  	s5 =	sshll.u32 s26, $0x1;
	_ =	strace $0x80000046;
	[dreg:$0x1] =	wrdreg $0xFFFFFFFF  }
0xa7: {  	s28 =	simm.s32 $_size_execute0_lowered;
	s3 =	sadd.s32 s3, s5;
	[dreg:$0x0] =	wrdreg $0x0  }
0xa8: {  	s5 =	sshll.u32 s28, $0x1;
	[dreg:$0x2] =	wrdreg s3  }
0xa9: {  	[dreg:$0x3] =	wrdreg s5  }
0xaa: {  	[dreg:$0x4] =	wrdreg $0xC0  }
0xab: {  	_ =	task [dreg:s7], $0x5FFFF  }
0xac: {  	[dreg:$0x1] =	wrdreg $0xFFFFFFFF  }
0xad: {  	[dreg:$0x0] =	wrdreg $0x60  }
0xae: {  	[dreg:$0x2] =	wrdreg s24  }
0xaf: {  	[dreg:$0x3] =	wrdreg s2  }
0xb0: {  	[dreg:$0x4] =	wrdreg $0x9  }
0xb1: {  	_ =	task.clear_ibuf [dreg:s7], $0x5FFFF;
	_ =	strace $0x90000046  }
0xb2: {  	s29 =	simm.s32 $0x9;
	_ =	strace $0x80000048  }
0xb3: {  	_ =	swait.ge [sflag:s29], $0x1  }
0xb4: {  	[sflag:s29] =	ssyncadd.s32 $0xFFFFFFFF  }
0xb5: {  	_ =	strace $0x90000048  }
0xb6: {  	_ =	sfence  }
0xb7: {  	s30 =	sld [smem:$0x0];
	_ =	sdelay $0x2  }
0xb8: {  	s31 =	sshll.u32 s1, $0xD;
	s1 =	sshrl.u32 s1, $0x2  }
0xb9: {  	s3 =	sand.u32 $0x4000, s31;
	s1 =	sadd.s32 s1, s30  }
0xba: {  	s0 =	sor.u32 s3, s0;
	s1 =	sshll.u32 s1, $0x11  }
0xbb: {  	s0 =	sor.u32 s1, s0  }
0xbc: {  	s0 =	sadd.s32 $0x8F2B, s0  }
0xbd: {  	[sflag:s0] =	ssyncadd.remote.s32 $0x1  }
0xbe: {  	_ =	sfence.sel $0xFFFF  }
0xbf: {  	[dreg:$0x0] =	wrdreg $0xFFFFFFFF;
	(pc) =	sbr.abs _section_cstart, $3  }
0xc0: {  	[dreg:$0x1] =	wrdreg $0xFFFFFFFF  }
0xc1: {  	_ =	task.clear_ibuf [dreg:s7], $0x2FFFF;
	_ =	strace $0x9FFFFFFF  }
0xc2: {  	(tm) =	ssettm $0x7FFFFFFF  }
0xc3: {  	_ =	shalt  }
tec
execute0_lowered:
.L_overlay_start_1:
0x0: {  	(tag) =	ssettag $0x1  }
0x1: {  	v0 =	vimm.s32 $0xFEDCBA9  }
0x2: {  	v1 =	vimm.s32 $0x87654321;
	v3 =	vimm.s32 $0x10FEDCBA;
	v20 =	vlaneseq.u32  }
0x3: {  	v48 =	vimm.s32 $0x98765432;
	v49 =	vimm.s32 $0x210FEDCB;
	v5 =	vimm.s32 $0xA9876543  }
0x4: {  	v6 =	vimm.s32 $0x3210FEDC;
	v7 =	vimm.s32 $0xBA987654;
	v8 =	vimm.s32 $0x43210FED  }
0x5: {  	v9 =	vimm.s32 $0xCBA98765;
	v50 =	vimm.s32 $0x543210FE;
	v51 =	vimm.s32 $0xDCBA9876  }
0x6: {  	v55 =	vimm.s32 $0x6543210F;
	v56 =	vimm.s32 $0xEDCBA987;
	v57 =	vimm.s32 $0xFEDCBA98  }
0x7: {  	v13 =	vimm.s32 $0x76543210;
	v0 =	vunpack.c.l.s4.s8 v0;
	v1 =	vunpack.c.l.s4.s8 v1  }
0x8: {  	v3 =	vunpack.c.l.s4.s8 v3;
	v4 =	vmul.u32 $0x40, v20;
	v5 =	vunpack.c.l.s4.s8 v5  }
0x9: {  	v6 =	vunpack.c.l.s4.s8 v6;
	v7 =	vunpack.c.l.s4.s8 v7;
	v8 =	vunpack.c.l.s4.s8 v8  }
0xa: {  	v9 =	vunpack.c.l.s4.s8 v9;
	v0 =	vunpack.c.0.s8.s32 v0;
	v1 =	vunpack.c.0.s8.s32 v1  }
0xb: {  	[tilespmem:$0x1FD50] =	vst v4;
	v3 =	vunpack.c.0.s8.s32 v3;
	v4 =	vunpack.c.l.s4.s8 v49;
	v5 =	vunpack.c.0.s8.s32 v5  }
0xc: {  	v6 =	vunpack.c.0.s8.s32 v6;
	v7 =	vunpack.c.0.s8.s32 v7;
	v14 =	vunpack.c.0.s8.s32 v8  }
0xd: {  	v15 =	vunpack.c.0.s8.s32 v9;
	v8 =	vunpack.c.l.s4.s8 v50;
	v2 =	vcombine.low v1, v0  }
0xe: {  	v9 =	vunpack.c.l.s4.s8 v51;
	v4 =	vunpack.c.0.s8.s32 v4;
	v12 =	vcombine.low v7, v6  }
0xf: {  	v54 =	vcombine.low v15, v14;
	v16 =	vunpack.c.0.s8.s32 v8;
	v2 =	vand.u32 $0xF, v2  }
0x10: {  	v17 =	vunpack.c.0.s8.s32 v9;
	v0 =	vcombine.low v0, v1;
	v53 =	vand.u32 $0xF, v12;
	[tilespmem:$0x1FD60] =	vst v2  }
0x11: {  	v8 =	vunpack.c.l.s4.s8 v55;
	v23 =	vcombine.low v6, v7;
	v60 =	vand.u32 $0xF, v54;
	[tilespmem:$0x1FD90] =	vst v53  }
0x12: {  	v9 =	vunpack.c.l.s4.s8 v56;
	v27 =	vcombine.low v14, v15;
	v0 =	vand.u32 $0xF, v0;
	[tilespmem:$0x1FDA0] =	vst v60  }
0x13: {  	v11 =	vcombine.low v5, v4;
	v58 =	vcombine.low v17, v16;
	v26 =	vand.u32 $0xF, v23;
	[tilespmem:$0x1FDE0] =	vst v0  }
0x14: {  	v18 =	vunpack.c.0.s8.s32 v8;
	v19 =	vunpack.c.0.s8.s32 v9;
	[tilespmem:$0x1FE10] =	vst v26;
	v0 =	vand.u32 $0xF, v27  }
0x15: {  	v21 =	vcombine.low v4, v5;
	v2 =	vunpack.c.l.s4.s8 v48;
	v52 =	vand.u32 $0xF, v11;
	[tilespmem:$0x1FE20] =	vst v0  }
0x16: {  	v29 =	vcombine.low v16, v17;
	v11 =	vunpack.c.l.s4.s8 v57;
	v61 =	vand.u32 $0xF, v58;
	[tilespmem:$0x1FD80] =	vst v52  }
0x17: {  	v63 =	vcombine.low v19, v18;
	v25 =	vand.u32 $0xF, v21;
	v2 =	vunpack.c.0.s8.s32 v2;
	[tilespmem:$0x1FDB0] =	vst v61  }
0x18: {  	v59 =	vunpack.c.l.s4.s8 v13;
	v30 =	vcombine.low v18, v19;
	v34 =	vand.u32 $0xF, v29;
	[tilespmem:$0x1FE00] =	vst v25  }
0x19: {  	[tilespmem:$0x1FE30] =	vst v34;
	v62 =	vunpack.c.0.s8.s32 v11;
	v22 =	vand.u32 $0xF, v63;
	v10 =	vcombine.low v2, v3  }
0x1a: {  	v12 =	vunpack.c.0.s8.s32 v59;
	v35 =	vand.u32 $0xF, v30;
	v2 =	vcombine.low v3, v2;
	[tilespmem:$0x1FDC0] =	vst v22  }
0x1b: {  	v32 =	vimm.s32 $0x14131211;
	[tilespmem:$0x1FE40] =	vst v35;
	v13 =	vand.u32 $0xF, v62;
	v10 =	vand.u32 $0xF, v10  }
0x1c: {  	v33 =	vimm.s32 $0x18171615;
	s5 =	rddreg [dreg:$0x0];
	v1 =	vcombine.low v13, v12;
	v24 =	vand.u32 $0xF, v2;
	[tilespmem:$0x1FD70] =	vst v10  }
0x1d: {  	s7 =	rddreg [dreg:$0x1];
	s2 =	simm.s32 $0x0;
	v6 =	vunpack.c.0.s8.s32 v33;
	v5 =	vunpack.c.0.s8.s32 v32;
	[tilespmem:$0x1FDF0] =	vst v24  }
0x1e: {  	vm0 =	vcmask $0x1F10;
	s1 =	srdreg.scid;
	v38 =	vimm.s32 $0x1D1C1B1A;
	[smem:$0x7FF] =	sst s2;
	v48 =	vor.u32 $0x10, v20;
	[tilespmem:$0x1FDD0] =	vst v1  }
0x1f: {  	v44 =	vimm.s32 $0x19181716;
	s4 =	sand.u32 $0x1, s1;
	v41 =	vunpack.c.0.s8.s32 v38;
	s1 =	rddreg [dreg:$0x2];
	v37 =	vsel vm0, v6, v5;
	_ =	strace $0x80000047;
	[tilespmem:$0x1FE50] =	vst v48  }
0x20: {  	v45 =	vimm.s32 $0x1E1D1C1B;
	v3 =	vunpack.c.0.s8.s32 v44;
	[tilespmem:$0x1FE70] =	vst v37  }
0x21: {  	v46 =	vimm.s32 $0x1211101F;
	v7 =	vunpack.c.0.s8.s32 v45;
	[tilespmem:$0x1FE90] =	vst v41  }
0x22: {  	v47 =	vunpack.c.0.s8.s32 v46;
	v52 =	vimm.s32 $0x16151413;
	[tilespmem:$0x1FEA0] =	vst v3  }
0x23: {  	v39 =	vimm.s32 $0x11101F1E;
	v54 =	vimm.s32 $0x1A191817;
	v53 =	vunpack.c.0.s8.s32 v52;
	[tilespmem:$0x1FEB0] =	vst v7  }
0x24: {  	v40 =	vimm.s32 $0x15141312;
	v42 =	vunpack.c.0.s8.s32 v39;
	v56 =	vunpack.c.0.s8.s32 v54;
	[tilespmem:$0x1FEC0] =	vst v47  }
0x25: {  	v43 =	vunpack.c.0.s8.s32 v40;
	[tilespmem:$0x1FED0] =	vst v53  }
0x26: {  	v49 =	vsel vm0, v42, v41;
	[tilespmem:$0x1FEE0] =	vst v56  }
0x27: {  	v50 =	vsel vm0, v3, v43;
	[tilespmem:$0x1FEF0] =	vst v49  }
0x28: {  	v51 =	vsel vm0, v47, v7;
	v11 =	vsel vm0, v56, v53;
	[tilespmem:$0x1FF00] =	vst v50  }
0x29: {  	v55 =	vimm.s32 $0x1F1E1D1C;
	v62 =	vcombine.low v11, v51;
	[tilespmem:$0x1FF20] =	vst v51  }
0x2a: {  	v57 =	vunpack.c.0.s8.s32 v55;
	v58 =	vimm.s32 $0x13121110;
	[tilespmem:$0x1FF30] =	vst v11  }
0x2b: {  	v59 =	vunpack.c.0.s8.s32 v58;
	[tilespmem:$0x1FF40] =	vst v62  }
0x2c: {  	v28 =	vimm.s32 $0x1C1B1A19;
	v31 =	vimm.s32 $0x101F1E1D;
	[tilespmem:$0x1FF50] =	vst v57  }
0x2d: {  	v4 =	vunpack.c.0.s8.s32 v31;
	v63 =	vsel vm0, v59, v57;
	v1 =	vunpack.c.0.s8.s32 v28;
	[tilespmem:$0x1FF60] =	vst v59  }
0x2e: {  	v60 =	vimm.s32 $0x17161514;
	v0 =	vsel vm0, v43, v42;
	[tilespmem:$0x1FF90] =	vst v63  }
0x2f: {  	v61 =	vimm.s32 $0x1B1A1918;
	v3 =	vunpack.c.0.s8.s32 v60;
	[tilespmem:$0x1FFF0] =	vst v0;
	v36 =	vsel vm0, v4, v1  }
0x30: {  	s0 =	stileid.u32;
	v7 =	vunpack.c.0.s8.s32 v61;
	[tilespmem:$0x1FE60] =	vst v36  }
0x31: {  	s11 =	simm.s32 $0x50;
	s12 =	simm.s32 $0x7530;
	s13 =	simm.s32 $0x8930;
	[tilespmem:$0x1FF70] =	vst v3  }
0x32: {  	s14 =	simm.s32 $0x9D30;
	s15 =	simm.s32 $0xB130;
	s3 =	sshll.u32 s0, $0x1;
	v4 =	vsel vm0, v5, v4;
	[tilespmem:$0x1FF80] =	vst v7  }
0x33: {  	s16 =	simm.s32 $0x1;
	s17 =	simm.s32 $0x2;
	s3 =	sor.u32 s4, s3;
	v1 =	vsel vm0, v1, v6;
	[tilespmem:$0x1FFC0] =	vst v4  }
0x34: {  	s18 =	simm.s32 $0x3;
	s19 =	simm.s32 $0x4;
	s6 =	smul.u32 $0x2710, s3;
	v8 =	vcombine.low v37, v36;
	v3 =	vsel vm0, v7, v3;
	[tilespmem:$0x1FFD0] =	vst v1  }
0x35: {  	s20 =	simm.s32 $0x4E20;
	s21 =	simm.s32 $0x0;
	s30 =	ssub.s32 $0x2, s4;
	v1 =	vcombine.low v1, v4;
	[tilespmem:$0x1FFA0] =	vst v3  }
0x36: {  	s4 =	sadd.s32 $0x800, s5;
	s31 =	sshrl.u32 s30, $0x1;
	s8 =	sshrl.u32 s6, $0x3;
	v3 =	vcombine.low v3, v63;
	[tilespmem:$0x1FE80] =	vst v8  }
0x37: {  	s3 =	sadd.s32 $0x14200, s5;
	s10 =	ssub.s32 s30, s31;
	s9 =	sadd.s32 s8, s5;
	v8 =	vcombine.low v50, v49;
	[tilespmem:$0x1FFE0] =	vst v1  }
0x38: {  	s7 =	sadd.s32 s7, s8;
	s8 =	smax.u32 s10, $0x1;
	s10 =	simm.s32 $0x2710;
	[tilespmem:$0x1FFB0] =	vst v3  }
0x39: {  	s5 =	sadd.s32 $0x27C00, s9;
	s6 =	sadd.s32 $0x31840, s9;
	s9 =	simm.s32 $0x5;
	[tilespmem:$0x1FF10] =	vst v8  }
.LBB2_1:
0x3a: {  	[tilespmem:s2], [sflag:$0x5] =	stream.linear.gather [hbm4b:s5+s2], $0x2710, $0x38;
	[tilespmem:$0xC530] =	vst v63  }
0x3b: {  	_ =	swait.ge [sflag:s9], $0x2710  }
0x3c: {  	[sflag:s9] =	ssyncset.done $0x0  }
0x3d: {  	[sflag:s9] =	ssyncadd.s32 $0xFFFFD8F0  }
0x3e: {  	[tilespmem:s10], [sflag:$0x5] =	stream.linear.gather [hbm4b:s6+s2], $0x2710, $0x38;
	[tilespmem:$0xC530] =	vst v63  }
0x3f: {  	_ =	swait.ge [sflag:s9], $0x2710  }
0x40: {  	[sflag:s9] =	ssyncset.done $0x0  }
0x41: {  	[sflag:s9] =	ssyncadd.s32 $0xFFFFD8F0  }
0x42: {  	[tilespmem:s12], [sflag:$0x1] =	stream.indirect.gather [hbm4b:s3+s11], $0x40, s2, s11, $0xb8;
	[tilespmem:$0xC530] =	vst v63  }
0x43: {  	s22 =	simm.s32 $0x0  }
0x44: {  	[tilespmem:s13], [sflag:$0x2] =	stream.indirect.gather [hbm4b:s4+s11], $0x40, s10, s11, $0xb8;
	[tilespmem:$0xC530] =	vst v63  }
.LBB2_2:
0x45: {  	s24 =	smul.u32 $0xA0, s22;
	_ =	sdelay $0x1  }
0x46: {  	s23 =	sadd.s32 $0x50, s24  }
0x47: {  	[tilespmem:s14], [sflag:$0x3] =	stream.indirect.gather [hbm4b:s3+s11], $0x40, s23, s11, $0xb8;
	[tilespmem:$0xC530] =	vst v63  }
0x48: {  	s25 =	sadd.s32 $0x2760, s24  }
0x49: {  	[tilespmem:s15], [sflag:$0x4] =	stream.indirect.gather [hbm4b:s4+s11], $0x40, s25, s11, $0xb8;
	[tilespmem:$0xC530] =	vst v63  }
0x4a: {  	s31 =	smul.u32 $0x280, s22;
	_ =	swait.ge [sflag:s16], $0x1400  }
0x4b: {  	[sflag:s16] =	ssyncset.done $0x0  }
0x4c: {  	s25 =	sshra.s32 s31, $0x2;
	[sflag:s16] =	ssyncadd.s32 $0xFFFFEC00  }
0x4d: {  	s26 =	sadd.s32 $0x4E20, s25;
	_ =	swait.ge [sflag:s17], $0x1400  }
0x4e: {  	v0 =	vmov s26;
	[sflag:s17] =	ssyncset.done $0x0  }
0x4f: {  	s25 =	simm.s32 $0x0;
	[tilespmem:$0x1FD40] =	vst v0;
	[sflag:s17] =	ssyncadd.s32 $0xFFFFEC00  }
.LBB2_3:
0x50: {  	v1 =	vld [tilespmem:$0x1FD50];
	_ =	sdelay $0x1  }
0x51: {  	s26 =	sshll.u32 s25, $0x4  }
0x52: {  	v0 =	vmov s26  }
0x53: {  	v0 =	vshll.u32 v0, $0x6  }
0x54: {  	v2 =	vor.u32 v1, v0;
	v1 =	vld [tilespmem:$0x1FDF0];
	_ =	sdelay $0x4  }
0x55: {  	v17 =	vor.u32 v1, v2;
	v1 =	vld [tilespmem:$0x1FE00];
	_ =	sdelay $0x4  }
0x56: {  	v18 =	vor.u32 v1, v2;
	v1 =	vld [tilespmem:$0x1FE10];
	_ =	sdelay $0x4  }
0x57: {  	v19 =	vor.u32 v1, v2;
	v1 =	vld [tilespmem:$0x1FE20];
	_ =	sdelay $0x4  }
0x58: {  	v20 =	vor.u32 v1, v2;
	v1 =	vld [tilespmem:$0x1FE30];
	_ =	sdelay $0x4  }
0x59: {  	v21 =	vor.u32 v1, v2;
	v1 =	vld [tilespmem:$0x1FE40];
	_ =	sdelay $0x4  }
0x5a: {  	v22 =	vor.u32 v1, v2;
	v1 =	vld [tilespmem:$0x1FE50];
	_ =	sdelay $0x4  }
0x5b: {  	v25 =	vor.u32 v1, v2;
	v1 =	vld [tilespmem:$0x1FE80];
	_ =	sdelay $0x4  }
0x5c: {  	v26 =	vor.u32 v1, v2;
	v1 =	vld [tilespmem:$0x1FF10];
	_ =	sdelay $0x4  }
0x5d: {  	v27 =	vor.u32 v1, v2;
	v1 =	vld [tilespmem:$0x1FF40];
	_ =	sdelay $0x4  }
0x5e: {  	v28 =	vor.u32 v1, v2;
	v1 =	vld [tilespmem:$0x1FFB0];
	_ =	sdelay $0x3  }
0x5f: {  	v3 =	vld [tilespmem:$0x1FEA0]  }
0x60: {  	v29 =	vor.u32 v1, v2;
	v1 =	vld [tilespmem:$0x1FE90];
	_ =	sdelay $0x3  }
0x61: {  	v4 =	vld [tilespmem:$0x1FED0];
	v0 =	vlaneseq.u32  }
0x62: {  	v0 =	vor.u32 v0, v2;
	v1 =	vsel vm0, v1, v3;
	v3 =	vld [tilespmem:$0x1FEC0]  }
0x63: {  	[tilespmem:$0x1FC60] =	vst v0;
	v0 =	vld [tilespmem:$0x1FD60];
	_ =	sdelay $0x2  }
0x64: {  	v5 =	vld [tilespmem:$0x1FEE0]  }
0x65: {  	v3 =	vsel vm0, v4, v3;
	v4 =	vld [tilespmem:$0x1FEB0]  }
0x66: {  	v0 =	vor.u32 v0, v2  }
0x67: {  	[tilespmem:$0x1FC70] =	vst v0;
	v0 =	vld [tilespmem:$0x1FD70];
	_ =	sdelay $0x1  }
0x68: {  	v6 =	vld [tilespmem:$0x1FF70]  }
0x69: {  	v4 =	vsel vm0, v4, v5;
	v5 =	vld [tilespmem:$0x1FF60];
	_ =	sdelay $0x1  }
0x6a: {  	v0 =	vor.u32 v0, v2  }
0x6b: {  	[tilespmem:$0x1FC80] =	vst v0;
	v0 =	vld [tilespmem:$0x1FD80]  }
0x6c: {  	v7 =	vld [tilespmem:$0x1FF80]  }
0x6d: {  	v5 =	vsel vm0, v6, v5;
	v6 =	vld [tilespmem:$0x1FF50];
	_ =	sdelay $0x2  }
0x6e: {  	v0 =	vor.u32 v0, v2  }
0x6f: {  	[tilespmem:$0x1FC90] =	vst v0;
	v0 =	vld [tilespmem:$0x1FD90]  }
0x70: {  	v6 =	vsel vm0, v6, v7;
	v7 =	vld [tilespmem:$0x1FFE0];
	_ =	sdelay $0x3  }
0x71: {  	v59 =	vor.u32 v0, v2;
	v0 =	vld [tilespmem:$0x1FDA0]  }
0x72: {  	v30 =	vor.u32 v7, v2;
	v7 =	vcombine.low v6, v5;
	v5 =	vld [tilespmem:$0x1FE60]  }
0x73: {  	v6 =	vld [tilespmem:$0x1FE70];
	_ =	sdelay $0x3  }
0x74: {  	v60 =	vor.u32 v0, v2;
	v0 =	vld [tilespmem:$0x1FDB0]  }
0x75: {  	v57 =	vcombine.low v5, v6;
	v5 =	vld [tilespmem:$0x1FEF0]  }
0x76: {  	v6 =	vld [tilespmem:$0x1FF00];
	_ =	sdelay $0x3  }
0x77: {  	v61 =	vor.u32 v0, v2;
	v0 =	vld [tilespmem:$0x1FDC0]  }
0x78: {  	v58 =	vcombine.low v5, v6;
	v5 =	vld [tilespmem:$0x1FF20]  }
0x79: {  	v6 =	vld [tilespmem:$0x1FF30];
	_ =	sdelay $0x2  }
0x7a: {  	v8 =	vld [tilespmem:$0x1FFF0]  }
0x7b: {  	v62 =	vor.u32 v0, v2;
	v0 =	vld [tilespmem:$0x1FDD0]  }
0x7c: {  	[tilespmem:$0x1FCC0] =	vst v7;
	v33 =	vor.u32 v7, v2;
	v7 =	vcombine.low v5, v6;
	v5 =	vld [tilespmem:$0x1FF90]  }
0x7d: {  	v6 =	vld [tilespmem:$0x1FFA0];
	_ =	sdelay $0x3  }
0x7e: {  	v63 =	vor.u32 v0, v2;
	v0 =	vld [tilespmem:$0x1FDE0];
	v9 =	vcombine.low v1, v8  }
0x7f: {  	v1 =	vcombine.low v8, v1;
	v11 =	vcombine.low v5, v6;
	v5 =	vld [tilespmem:$0x1FFC0]  }
0x80: {  	[tilespmem:$0x1FCA0] =	vst v9;
	v10 =	vcombine.low v4, v3;
	v6 =	vld [tilespmem:$0x1FFD0]  }
0x81: {  	[tilespmem:$0x1FD20] =	vst v1;
	v3 =	vcombine.low v3, v4  }
0x82: {  	[tilespmem:$0x1FCB0] =	vst v10  }
0x83: {  	v0 =	vor.u32 v0, v2;
	[tilespmem:$0x1FD30] =	vst v3  }
0x84: {  	v31 =	vor.u32 v9, v2;
	v1 =	vor.u32 v1, v2;
	v4 =	vimm.f32 $0.0e+00;
	[tilespmem:$0x1FCD0] =	vst v57  }
0x85: {  	v32 =	vor.u32 v10, v2;
	v34 =	vor.u32 v57, v2;
	[tilespmem:$0x1FCE0] =	vst v58;
	v5 =	vcombine.low v5, v6  }
0x86: {  	v37 =	vor.u32 v58, v2;
	[tilespmem:$0x1FCF0] =	vst v7;
	v38 =	vor.u32 v7, v2;
	v7 =	vimm.f32 $0.0e+00  }
0x87: {  	[tilespmem:$0x1FD00] =	vst v11;
	v39 =	vor.u32 v11, v2;
	v6 =	vimm.f32 $0.0e+00;
	v40 =	vor.u32 v5, v2  }
0x88: {  	p0 =	por $0x1, $0x1;
	[tilespmem:$0x1FD10] =	vst v5;
	v2 =	vor.u32 v3, v2;
	v3 =	vimm.s32 $0x0;
	v5 =	vimm.f32 $0.0e+00  }
.LBB2_4:
0x89: {  	v14 =	vadd.s32 v3, v59  }
0x8a: {  	v8 =	vld [tilespmem:$0x1FC60]  }
0x8b: {  	v9 =	vld [tilespmem:$0x1FC70];
	v16 =	vadd.s32 v3, v60  }
0x8c: {  	v10 =	vld [tilespmem:$0x1FC80]  }
0x8d: {  	v12 =	vld [tilespmem:$0x1FC90];
	v24 =	vadd.s32 v3, v61  }
0x8e: {  	v43 =	vld.idx.msk [tilespmem:v14+s12+$0x0], $0xffff  }
0x8f: {  	v35 =	vadd.s32 v3, v62;
	v14 =	vld.idx.msk [tilespmem:v14+s13+$0x0], $0xffff  }
0x90: {  	v36 =	vld.idx.msk [tilespmem:v16+s12+$0x0], $0xffff  }
0x91: {  	v41 =	vadd.s32 v3, v63;
	v16 =	vld.idx.msk [tilespmem:v16+s13+$0x0], $0xffff  }
0x92: {  	v42 =	vld.idx.msk [tilespmem:v24+s12+$0x0], $0xffff  }
0x93: {  	v54 =	vadd.s32 v3, v0;
	v24 =	vld.idx.msk [tilespmem:v24+s13+$0x0], $0xffff  }
0x94: {  	v44 =	vld.idx.msk [tilespmem:v35+s12+$0x0], $0xffff  }
0x95: {  	v45 =	vadd.s32 v3, v17;
	v35 =	vld.idx.msk [tilespmem:v35+s13+$0x0], $0xffff  }
0x96: {  	v46 =	vld.idx.msk [tilespmem:v41+s12+$0x0], $0xffff  }
0x97: {  	v47 =	vadd.s32 v3, v18;
	v41 =	vld.idx.msk [tilespmem:v41+s13+$0x0], $0xffff  }
0x98: {  	v48 =	vld.idx.msk [tilespmem:v54+s12+$0x0], $0xffff  }
0x99: {  	v49 =	vadd.s32 v3, v19;
	v54 =	vld.idx.msk [tilespmem:v54+s13+$0x0], $0xffff  }
0x9a: {  	v50 =	vld.idx.msk [tilespmem:v45+s12+$0x0], $0xffff  }
0x9b: {  	v51 =	vadd.s32 v3, v20;
	v45 =	vld.idx.msk [tilespmem:v45+s13+$0x0], $0xffff  }
0x9c: {  	v52 =	vld.idx.msk [tilespmem:v47+s12+$0x0], $0xffff  }
0x9d: {  	v8 =	vadd.s32 v3, v8;
	v47 =	vld.idx.msk [tilespmem:v47+s13+$0x0], $0xffff  }
0x9e: {  	v55 =	vld.idx.msk [tilespmem:v49+s12+$0x0], $0xffff  }
0x9f: {  	v9 =	vadd.s32 v3, v9;
	v49 =	vld.idx.msk [tilespmem:v49+s13+$0x0], $0xffff  }
0xa0: {  	v57 =	vld.idx.msk [tilespmem:v51+s12+$0x0], $0xffff  }
0xa1: {  	v10 =	vadd.s32 v3, v10;
	v51 =	vld.idx.msk [tilespmem:v51+s13+$0x0], $0xffff  }
0xa2: {  	v11 =	vld.idx.msk [tilespmem:v8+s12+$0x0], $0xffff  }
0xa3: {  	v12 =	vadd.s32 v3, v12;
	v8 =	vld.idx.msk [tilespmem:v8+s13+$0x0], $0xffff  }
0xa4: {  	v13 =	vld.idx.msk [tilespmem:v9+s12+$0x0], $0xffff  }
0xa5: {  	v58 =	vadd.s32 v3, v25;
	v9 =	vld.idx.msk [tilespmem:v9+s13+$0x0], $0xffff  }
0xa6: {  	v53 =	vadd.s32 v3, v21;
	v15 =	vld.idx.msk [tilespmem:v10+s12+$0x0], $0xffff  }
0xa7: {  	v10 =	vld.idx.msk [tilespmem:v10+s13+$0x0], $0xffff  }
0xa8: {  	v23 =	vld.idx.msk [tilespmem:v12+s12+$0x0], $0xffff;
	v35 =	vmul.bf16 v35, v44;
	v44 =	vadd.s32 v3, v29  }
0xa9: {  	v12 =	vld.idx.msk [tilespmem:v12+s13+$0x0], $0xffff  }
0xaa: {  	v16 =	vmul.bf16 v16, v36;
	v36 =	vld.idx.msk [tilespmem:v58+s12+$0x0], $0xffff;
	v41 =	vmul.bf16 v41, v46;
	v46 =	vadd.s32 v3, v31  }
0xab: {  	v56 =	vadd.s32 v3, v22;
	v8 =	vmul.bf16 v8, v11;
	v11 =	vld.idx.msk [tilespmem:v53+s12+$0x0], $0xffff  }
0xac: {  	v9 =	vmul.bf16 v9, v13;
	v13 =	vld.idx.msk [tilespmem:v53+s13+$0x0], $0xffff  }
0xad: {  	v54 =	vmul.bf16 v54, v48;
	v48 =	vld.idx.msk [tilespmem:v44+s12+$0x0], $0xffff  }
0xae: {  	v10 =	vmul.bf16 v10, v15;
	v12 =	vmul.bf16 v12, v23;
	v15 =	vadd.s32 v3, v26;
	v44 =	vld.idx.msk [tilespmem:v44+s13+$0x0], $0xffff  }
0xaf: {  	v47 =	vmul.bf16 v47, v52;
	v52 =	vld.idx.msk [tilespmem:v46+s12+$0x0], $0xffff;
	v8 =	vadd.bf16 v9, v8  }
0xb0: {  	v23 =	vadd.s32 v3, v27;
	v9 =	vld.idx.msk [tilespmem:v56+s12+$0x0], $0xffff;
	v10 =	vadd.bf16 v12, v10  }
0xb1: {  	v12 =	vmul.bf16 v14, v43;
	v14 =	vld.idx.msk [tilespmem:v56+s13+$0x0], $0xffff;
	v53 =	vunpack.i.u.bf16.f32 v8;
	v8 =	vunpack.i.l.bf16.f32 v8  }
0xb2: {  	v45 =	vmul.bf16 v45, v50;
	v50 =	vadd.s32 v3, v32;
	v7 =	vadd.f32 v8, v7;
	v8 =	vld.idx.msk [tilespmem:v58+s13+$0x0], $0xffff  }
0xb3: {  	v24 =	vmul.bf16 v24, v42;
	v43 =	vadd.s32 v3, v28;
	v42 =	vld.idx.msk [tilespmem:v15+s12+$0x0], $0xffff  }
0xb4: {  	v51 =	vmul.bf16 v51, v57;
	v12 =	vadd.bf16 v16, v12;
	v16 =	vunpack.i.u.bf16.f32 v10;
	v15 =	vld.idx.msk [tilespmem:v15+s13+$0x0], $0xffff  }
0xb5: {  	v57 =	vadd.s32 v3, v38;
	v24 =	vadd.bf16 v35, v24;
	v4 =	vadd.f32 v16, v4;
	v16 =	vld.idx.msk [tilespmem:v23+s12+$0x0], $0xffff  }
0xb6: {  	v10 =	vunpack.i.l.bf16.f32 v10;
	v6 =	vadd.f32 v53, v6;
	v23 =	vld.idx.msk [tilespmem:v23+s13+$0x0], $0xffff;
	v58 =	vadd.s32 v3, v30  }
0xb7: {  	v11 =	vmul.bf16 v13, v11;
	v13 =	vld.idx.msk [tilespmem:v50+s12+$0x0], $0xffff;
	v56 =	vunpack.i.u.bf16.f32 v12;
	v12 =	vunpack.i.l.bf16.f32 v12  }
0xb8: {  	v5 =	vadd.f32 v10, v5;
	v53 =	vunpack.i.l.bf16.f32 v24;
	v7 =	vadd.f32 v12, v7;
	v10 =	vld.idx.msk [tilespmem:v43+s12+$0x0], $0xffff  }
0xb9: {  	v24 =	vunpack.i.u.bf16.f32 v24;
	v6 =	vadd.f32 v56, v6;
	v43 =	vld.idx.msk [tilespmem:v43+s13+$0x0], $0xffff;
	v12 =	vadd.bf16 v54, v41  }
0xba: {  	v41 =	vadd.bf16 v47, v45;
	v47 =	vadd.s32 v3, v33;
	v9 =	vmul.bf16 v14, v9;
	v14 =	vld.idx.msk [tilespmem:v50+s13+$0x0], $0xffff  }
0xbb: {  	v5 =	vadd.f32 v53, v5;
	v4 =	vadd.f32 v24, v4;
	v56 =	vmul.bf16 v49, v55;
	v24 =	vld.idx.msk [tilespmem:v58+s12+$0x0], $0xffff  }
0xbc: {  	v53 =	vadd.s32 v3, v34;
	v55 =	vadd.s32 v3, v37;
	v54 =	vunpack.i.u.bf16.f32 v41;
	v35 =	vld.idx.msk [tilespmem:v58+s13+$0x0], $0xffff  }
0xbd: {  	v58 =	vunpack.i.u.bf16.f32 v12;
	v12 =	vunpack.i.l.bf16.f32 v12;
	v4 =	vadd.f32 v54, v4;
	v54 =	vld.idx.msk [tilespmem:v57+s12+$0x0], $0xffff  }
0xbe: {  	v45 =	vadd.bf16 v51, v56;
	v41 =	vunpack.i.l.bf16.f32 v41;
	v7 =	vadd.f32 v12, v7;
	v12 =	vld.idx.msk [tilespmem:v46+s13+$0x0], $0xffff  }
0xbf: {  	v9 =	vadd.bf16 v9, v11;
	v5 =	vadd.f32 v41, v5;
	v41 =	vld.idx.msk [tilespmem:v47+s12+$0x0], $0xffff  }
0xc0: {  	v8 =	vmul.bf16 v8, v36;
	v15 =	vmul.bf16 v15, v42;
	v6 =	vadd.f32 v58, v6;
	v11 =	vld.idx.msk [tilespmem:v47+s13+$0x0], $0xffff  }
0xc1: {  	v56 =	vunpack.i.l.bf16.f32 v45;
	v58 =	vunpack.i.l.bf16.f32 v9;
	v46 =	vadd.s32 v3, v39;
	v36 =	vld.idx.msk [tilespmem:v53+s12+$0x0], $0xffff  }
0xc2: {  	v45 =	vunpack.i.u.bf16.f32 v45;
	v9 =	vunpack.i.u.bf16.f32 v9;
	v42 =	vld.idx.msk [tilespmem:v53+s13+$0x0], $0xffff;
	v5 =	vadd.f32 v58, v5  }
0xc3: {  	v8 =	vadd.bf16 v15, v8;
	v15 =	vmul.bf16 v23, v16;
	v16 =	vld.idx.msk [tilespmem:v55+s13+$0x0], $0xffff;
	v23 =	vadd.s32 v3, v40  }
0xc4: {  	v10 =	vmul.bf16 v43, v10;
	v53 =	vmul.bf16 v44, v48;
	v6 =	vadd.f32 v45, v6;
	v45 =	vld.idx.msk [tilespmem:v55+s12+$0x0], $0xffff  }
0xc5: {  	v48 =	vadd.s32 v3, v2;
	v7 =	vadd.f32 v56, v7;
	v56 =	vld.idx.msk [tilespmem:v57+s13+$0x0], $0xffff;
	v24 =	vmul.bf16 v35, v24  }
0xc6: {  	v4 =	vadd.f32 v9, v4;
	v57 =	vadd.s32 v3, v1;
	v55 =	vunpack.i.l.bf16.f32 v8;
	v58 =	vld.idx.msk [tilespmem:v46+s12+$0x0], $0xffff  }
0xc7: {  	v10 =	vadd.bf16 v10, v15;
	v8 =	vunpack.i.u.bf16.f32 v8;
	v15 =	vadd.bf16 v24, v53;
	v24 =	vld.idx.msk [tilespmem:v46+s13+$0x0], $0xffff  }
0xc8: {  	v13 =	vmul.bf16 v14, v13;
	v7 =	vadd.f32 v55, v7;
	v6 =	vadd.f32 v8, v6;
	v49 =	vld.idx.msk [tilespmem:v23+s12+$0x0], $0xffff  }
0xc9: {  	v12 =	vmul.bf16 v12, v52;
	v8 =	vunpack.i.u.bf16.f32 v10;
	v10 =	vunpack.i.l.bf16.f32 v10;
	v23 =	vld.idx.msk [tilespmem:v23+s13+$0x0], $0xffff  }
0xca: {  	v5 =	vadd.f32 v10, v5;
	v11 =	vmul.bf16 v11, v41;
	v36 =	vmul.bf16 v42, v36;
	v53 =	vld.idx.msk [tilespmem:v48+s12+$0x0], $0xffff  }
0xcb: {  	v4 =	vadd.f32 v8, v4;
	v12 =	vadd.bf16 v13, v12;
	v51 =	vld.idx.msk [tilespmem:v57+s12+$0x0], $0xffff  }
0xcc: {  	v52 =	vld.idx.msk [tilespmem:v57+s13+$0x0], $0xffff;
	v50 =	vunpack.i.l.bf16.f32 v15;
	v8 =	vunpack.i.u.bf16.f32 v15;
	v11 =	vadd.bf16 v36, v11  }
0xcd: {  	v15 =	vunpack.i.l.bf16.f32 v12;
	v6 =	vadd.f32 v8, v6;
	v8 =	vld.idx.msk [tilespmem:v48+s13+$0x0], $0xffff;
	v12 =	vunpack.i.u.bf16.f32 v12  }
0xce: {  	v5 =	vadd.f32 v15, v5;
	v15 =	vmul.bf16 v16, v45;
	v16 =	vmul.bf16 v56, v54  }
0xcf: {  	v7 =	vadd.f32 v50, v7;
	v4 =	vadd.f32 v12, v4  }
0xd0: {  	v9 =	vmul.bf16 v24, v58;
	v14 =	vmul.bf16 v23, v49;
	v54 =	vadd.bf16 v16, v15  }
0xd1: {  	v15 =	vunpack.i.l.bf16.f32 v11;
	v10 =	vmul.bf16 v52, v51;
	v11 =	vunpack.i.u.bf16.f32 v11  }
0xd2: {  	p1 =	por p0, p0;
	v7 =	vadd.f32 v15, v7;
	v9 =	vadd.bf16 v14, v9;
	v8 =	vmul.bf16 v8, v53  }
.Ltmp0:
0xd3: {  	v6 =	vadd.f32 v11, v6;
	v55 =	vunpack.i.l.bf16.f32 v54;
	v56 =	vunpack.i.u.bf16.f32 v54;
	(pc) =	sbr.rel @p1 .LBB2_4-.Ltmp0, $4  }
0xd4: {  	v5 =	vadd.f32 v55, v5;
	v57 =	vunpack.i.l.bf16.f32 v9;
	v8 =	vadd.bf16 v8, v10  }
0xd5: {  	v4 =	vadd.f32 v56, v4;
	v9 =	vunpack.i.u.bf16.f32 v9;
	v7 =	vadd.f32 v57, v7  }
0xd6: {  	v6 =	vadd.f32 v9, v6;
	v58 =	vunpack.i.u.bf16.f32 v8;
	v8 =	vunpack.i.l.bf16.f32 v8  }
0xd7: {  	p0 =	por $0x0, $0x0;
	v3 =	vadd.s32 $0x20, v3;
	v5 =	vadd.f32 v8, v5;
	v4 =	vadd.f32 v58, v4  }
0xd8: {  	v63 =	vld [tilespmem:$0x1FD40];
	_ =	sdelay $0x1  }
0xd9: {  	s25 =	sadd.s32 $0x1, s25  }
0xda: {  	p0 =	sne.s32 s25, $0x5  }
.Ltmp1:
0xdb: {  	v0 =	vadd.f32 v5, v7;
	v1 =	vadd.f32 v4, v6;
	(pc) =	sbr.rel @p0 .LBB2_3-.Ltmp1, $3  }
0xdc: {  	_ = 	snop  }
0xdd: {  	v0 =	vadd.f32 v1, v0;
	_ =	sdelay $0x1  }
0xde: {  	[tilespmem:v63+s26+$0x0 ss:$0x1] =	vst.idx.msk $0xffff, v0  }
0xdf: {  	s25 =	sadd.s32 $0xA0, s24  }
0xe0: {  	[tilespmem:s12], [sflag:$0x1] =	stream.indirect.gather [hbm4b:s3+s11], $0x40, s25, s11, $0xb8;
	[tilespmem:$0xC530] =	vst v63  }
0xe1: {  	s30 =	sadd.s32 $0x27B0, s24  }
0xe2: {  	[tilespmem:s13], [sflag:$0x2] =	stream.indirect.gather [hbm4b:s4+s11], $0x40, s30, s11, $0xb8;
	[tilespmem:$0xC530] =	vst v63  }
0xe3: {  	_ =	swait.ge [sflag:s18], $0x1400  }
0xe4: {  	[sflag:s18] =	ssyncset.done $0x0  }
0xe5: {  	[sflag:s18] =	ssyncadd.s32 $0xFFFFEC00  }
0xe6: {  	s31 =	sadd.s32 $0x4E20, s23;
	_ =	swait.ge [sflag:s19], $0x1400  }
0xe7: {  	v0 =	vmov s31;
	[sflag:s19] =	ssyncset.done $0x0  }
0xe8: {  	s23 =	simm.s32 $0x0;
	[tilespmem:$0x1FC50] =	vst v0;
	[sflag:s19] =	ssyncadd.s32 $0xFFFFEC00  }
.LBB2_7:
0xe9: {  	v1 =	vld [tilespmem:$0x1FD50];
	_ =	sdelay $0x1  }
0xea: {  	s24 =	sshll.u32 s23, $0x4  }
0xeb: {  	v0 =	vmov s24  }
0xec: {  	v0 =	vshll.u32 v0, $0x6  }
0xed: {  	v2 =	vor.u32 v1, v0;
	v0 =	vlaneseq.u32  }
0xee: {  	v0 =	vor.u32 v0, v2  }
0xef: {  	[tilespmem:$0x1FC10] =	vst v0;
	v0 =	vld [tilespmem:$0x1FD60];
	_ =	sdelay $0x4  }
0xf0: {  	v0 =	vor.u32 v0, v2  }
0xf1: {  	[tilespmem:$0x1FC20] =	vst v0;
	v0 =	vld [tilespmem:$0x1FD70];
	_ =	sdelay $0x4  }
0xf2: {  	v0 =	vor.u32 v0, v2  }
0xf3: {  	[tilespmem:$0x1FC30] =	vst v0;
	v0 =	vld [tilespmem:$0x1FD80];
	_ =	sdelay $0x4  }
0xf4: {  	v0 =	vor.u32 v0, v2  }
0xf5: {  	[tilespmem:$0x1FC40] =	vst v0;
	v0 =	vld [tilespmem:$0x1FD90];
	_ =	sdelay $0x4  }
0xf6: {  	v20 =	vor.u32 v0, v2;
	v0 =	vld [tilespmem:$0x1FDA0];
	_ =	sdelay $0x4  }
0xf7: {  	v21 =	vor.u32 v0, v2;
	v0 =	vld [tilespmem:$0x1FDB0];
	_ =	sdelay $0x4  }
0xf8: {  	v22 =	vor.u32 v0, v2;
	v0 =	vld [tilespmem:$0x1FDC0];
	_ =	sdelay $0x4  }
0xf9: {  	v25 =	vor.u32 v0, v2;
	v0 =	vld [tilespmem:$0x1FDD0];
	_ =	sdelay $0x4  }
0xfa: {  	v26 =	vor.u32 v0, v2;
	v0 =	vld [tilespmem:$0x1FDE0];
	_ =	sdelay $0x4  }
0xfb: {  	v27 =	vor.u32 v0, v2;
	v0 =	vld [tilespmem:$0x1FDF0];
	_ =	sdelay $0x4  }
0xfc: {  	v28 =	vor.u32 v0, v2;
	v0 =	vld [tilespmem:$0x1FE00];
	_ =	sdelay $0x4  }
0xfd: {  	v29 =	vor.u32 v0, v2;
	v0 =	vld [tilespmem:$0x1FE10];
	_ =	sdelay $0x4  }
0xfe: {  	v55 =	vor.u32 v0, v2;
	v0 =	vld [tilespmem:$0x1FE20];
	_ =	sdelay $0x4  }
0xff: {  	v30 =	vor.u32 v0, v2;
	v0 =	vld [tilespmem:$0x1FE30];
	_ =	sdelay $0x4  }
0x100: {  	v31 =	vor.u32 v0, v2;
	v0 =	vld [tilespmem:$0x1FE40];
	_ =	sdelay $0x4  }
0x101: {  	v56 =	vor.u32 v0, v2;
	v0 =	vld [tilespmem:$0x1FE50];
	_ =	sdelay $0x4  }
0x102: {  	v32 =	vor.u32 v0, v2;
	v0 =	vld [tilespmem:$0x1FE80];
	_ =	sdelay $0x4  }
0x103: {  	v57 =	vor.u32 v0, v2;
	v0 =	vld [tilespmem:$0x1FF10];
	_ =	sdelay $0x4  }
0x104: {  	v58 =	vor.u32 v0, v2;
	v0 =	vld [tilespmem:$0x1FF40];
	_ =	sdelay $0x4  }
0x105: {  	v33 =	vor.u32 v0, v2;
	v0 =	vld [tilespmem:$0x1FFB0];
	_ =	sdelay $0x4  }
0x106: {  	v59 =	vor.u32 v0, v2;
	v0 =	vld [tilespmem:$0x1FFE0];
	_ =	sdelay $0x4  }
0x107: {  	v60 =	vor.u32 v0, v2;
	v0 =	vld [tilespmem:$0x1FCA0];
	_ =	sdelay $0x4  }
0x108: {  	v34 =	vor.u32 v0, v2;
	v0 =	vld [tilespmem:$0x1FCB0];
	_ =	sdelay $0x4  }
0x109: {  	v61 =	vor.u32 v0, v2;
	v0 =	vld [tilespmem:$0x1FCC0];
	_ =	sdelay $0x4  }
0x10a: {  	v62 =	vor.u32 v0, v2;
	v0 =	vld [tilespmem:$0x1FCD0];
	_ =	sdelay $0x4  }
0x10b: {  	v37 =	vor.u32 v0, v2;
	v0 =	vld [tilespmem:$0x1FCE0];
	_ =	sdelay $0x4  }
0x10c: {  	v38 =	vor.u32 v0, v2;
	v0 =	vld [tilespmem:$0x1FCF0];
	_ =	sdelay $0x4  }
0x10d: {  	v63 =	vor.u32 v0, v2;
	v0 =	vld [tilespmem:$0x1FD00];
	_ =	sdelay $0x4  }
0x10e: {  	v39 =	vor.u32 v0, v2;
	v0 =	vld [tilespmem:$0x1FD10];
	_ =	sdelay $0x4  }
0x10f: {  	v40 =	vor.u32 v0, v2;
	v0 =	vld [tilespmem:$0x1FD20];
	_ =	sdelay $0x4  }
0x110: {  	v1 =	vor.u32 v0, v2;
	v0 =	vld [tilespmem:$0x1FD30];
	_ =	sdelay $0x3  }
0x111: {  	v4 =	vimm.f32 $0.0e+00;
	v3 =	vimm.s32 $0x0;
	v6 =	vimm.f32 $0.0e+00  }
0x112: {  	p0 =	por $0x1, $0x1;
	v5 =	vimm.f32 $0.0e+00;
	v7 =	vimm.f32 $0.0e+00;
	v2 =	vor.u32 v0, v2  }
.LBB2_8:
0x113: {  	v0 =	vld [tilespmem:$0x1FC10]  }
0x114: {  	v14 =	vadd.s32 v3, v20;
	_ =	sdelay $0x1  }
0x115: {  	v16 =	vadd.s32 v3, v21;
	_ =	sdelay $0x1  }
0x116: {  	v24 =	vadd.s32 v3, v22;
	v8 =	vadd.s32 v3, v0;
	v0 =	vld [tilespmem:$0x1FC20]  }
0x117: {  	v35 =	vld.idx.msk [tilespmem:v14+s14+$0x0], $0xffff  }
0x118: {  	v36 =	vadd.s32 v3, v25;
	v14 =	vld.idx.msk [tilespmem:v14+s15+$0x0], $0xffff  }
0x119: {  	v41 =	vld.idx.msk [tilespmem:v16+s14+$0x0], $0xffff  }
0x11a: {  	v42 =	vadd.s32 v3, v26;
	v16 =	vld.idx.msk [tilespmem:v16+s15+$0x0], $0xffff  }
0x11b: {  	v43 =	vld.idx.msk [tilespmem:v24+s14+$0x0], $0xffff  }
0x11c: {  	v44 =	vadd.s32 v3, v27;
	v24 =	vld.idx.msk [tilespmem:v24+s15+$0x0], $0xffff  }
0x11d: {  	v45 =	vld.idx.msk [tilespmem:v36+s14+$0x0], $0xffff  }
0x11e: {  	v46 =	vadd.s32 v3, v28;
	v36 =	vld.idx.msk [tilespmem:v36+s15+$0x0], $0xffff  }
0x11f: {  	v47 =	vld.idx.msk [tilespmem:v42+s14+$0x0], $0xffff  }
0x120: {  	v42 =	vld.idx.msk [tilespmem:v42+s15+$0x0], $0xffff  }
0x121: {  	v48 =	vadd.s32 v3, v29;
	v49 =	vld.idx.msk [tilespmem:v44+s14+$0x0], $0xffff  }
0x122: {  	v44 =	vld.idx.msk [tilespmem:v44+s15+$0x0], $0xffff  }
0x123: {  	v51 =	vld.idx.msk [tilespmem:v46+s14+$0x0], $0xffff  }
0x124: {  	v46 =	vld.idx.msk [tilespmem:v46+s15+$0x0], $0xffff  }
0x125: {  	v52 =	vadd.s32 v3, v30;
	v9 =	vadd.s32 v3, v0;
	v0 =	vld [tilespmem:$0x1FC30]  }
0x126: {  	v53 =	vld.idx.msk [tilespmem:v48+s14+$0x0], $0xffff  }
0x127: {  	v48 =	vld.idx.msk [tilespmem:v48+s15+$0x0], $0xffff  }
0x128: {  	v11 =	vld.idx.msk [tilespmem:v8+s14+$0x0], $0xffff  }
0x129: {  	v54 =	vadd.s32 v3, v31;
	v8 =	vld.idx.msk [tilespmem:v8+s15+$0x0], $0xffff  }
0x12a: {  	v18 =	vld.idx.msk [tilespmem:v52+s14+$0x0], $0xffff;
	v10 =	vadd.s32 v3, v0  }
0x12b: {  	v0 =	vld [tilespmem:$0x1FC40]  }
0x12c: {  	v50 =	vadd.s32 v3, v55;
	v13 =	vld.idx.msk [tilespmem:v9+s14+$0x0], $0xffff  }
0x12d: {  	v9 =	vld.idx.msk [tilespmem:v9+s15+$0x0], $0xffff  }
0x12e: {  	v17 =	vadd.s32 v3, v56;
	v8 =	vmul.bf16 v8, v11;
	v11 =	vld.idx.msk [tilespmem:v54+s14+$0x0], $0xffff  }
0x12f: {  	v15 =	vld.idx.msk [tilespmem:v10+s14+$0x0], $0xffff  }
0x130: {  	v12 =	vadd.s32 v3, v0;
	v10 =	vld.idx.msk [tilespmem:v10+s15+$0x0], $0xffff  }
0x131: {  	v0 =	vld.idx.msk [tilespmem:v50+s14+$0x0], $0xffff  }
0x132: {  	v9 =	vmul.bf16 v9, v13;
	v13 =	vld.idx.msk [tilespmem:v54+s15+$0x0], $0xffff  }
0x133: {  	v54 =	vmul.bf16 v14, v35;
	v14 =	vld.idx.msk [tilespmem:v17+s15+$0x0], $0xffff  }
0x134: {  	v19 =	vadd.s32 v3, v32;
	v8 =	vadd.bf16 v9, v8;
	v9 =	vld.idx.msk [tilespmem:v17+s14+$0x0], $0xffff  }
0x135: {  	v42 =	vmul.bf16 v42, v47;
	v47 =	vadd.s32 v3, v61;
	v23 =	vld.idx.msk [tilespmem:v12+s14+$0x0], $0xffff  }
0x136: {  	v12 =	vld.idx.msk [tilespmem:v12+s15+$0x0], $0xffff  }
0x137: {  	v50 =	vld.idx.msk [tilespmem:v50+s15+$0x0], $0xffff  }
0x138: {  	v52 =	vld.idx.msk [tilespmem:v52+s15+$0x0], $0xffff;
	v10 =	vmul.bf16 v10, v15;
	v15 =	vadd.s32 v3, v57  }
0x139: {  	v16 =	vmul.bf16 v16, v41;
	v35 =	vld.idx.msk [tilespmem:v19+s14+$0x0], $0xffff  }
0x13a: {  	v17 =	vadd.s32 v3, v58;
	v11 =	vmul.bf16 v13, v11;
	v13 =	vld.idx.msk [tilespmem:v47+s14+$0x0], $0xffff;
	v9 =	vmul.bf16 v14, v9  }
0x13b: {  	v14 =	vld.idx.msk [tilespmem:v47+s15+$0x0], $0xffff;
	v12 =	vmul.bf16 v12, v23;
	v23 =	vunpack.i.u.bf16.f32 v8;
	v8 =	vunpack.i.l.bf16.f32 v8  }
0x13c: {  	v0 =	vmul.bf16 v50, v0;
	v50 =	vadd.s32 v3, v40;
	v7 =	vadd.f32 v8, v7;
	v8 =	vld.idx.msk [tilespmem:v19+s15+$0x0], $0xffff  }
0x13d: {  	v6 =	vadd.f32 v23, v6;
	v19 =	vadd.s32 v3, v33;
	v23 =	vmul.bf16 v24, v43;
	v24 =	vld.idx.msk [tilespmem:v15+s14+$0x0], $0xffff  }
0x13e: {  	v36 =	vmul.bf16 v36, v45;
	v41 =	vadd.s32 v3, v59;
	v15 =	vld.idx.msk [tilespmem:v15+s15+$0x0], $0xffff;
	v10 =	vadd.bf16 v12, v10  }
0x13f: {  	v18 =	vmul.bf16 v52, v18;
	v52 =	vadd.s32 v3, v38;
	v12 =	vadd.bf16 v16, v54;
	v16 =	vld.idx.msk [tilespmem:v17+s14+$0x0], $0xffff  }
0x140: {  	v17 =	vld.idx.msk [tilespmem:v17+s15+$0x0], $0xffff;
	v23 =	vadd.bf16 v36, v23;
	v54 =	vunpack.i.u.bf16.f32 v10;
	v10 =	vunpack.i.l.bf16.f32 v10  }
0x141: {  	v4 =	vadd.f32 v54, v4;
	v54 =	vmul.bf16 v44, v49;
	v49 =	vmul.bf16 v46, v51;
	v46 =	vld.idx.msk [tilespmem:v50+s14+$0x0], $0xffff  }
0x142: {  	v5 =	vadd.f32 v10, v5;
	v10 =	vld.idx.msk [tilespmem:v19+s14+$0x0], $0xffff  }
0x143: {  	v36 =	vadd.s32 v3, v60;
	v45 =	vunpack.i.l.bf16.f32 v23;
	v19 =	vld.idx.msk [tilespmem:v19+s15+$0x0], $0xffff  }
0x144: {  	v43 =	vunpack.i.u.bf16.f32 v12;
	v51 =	vmul.bf16 v48, v53;
	v5 =	vadd.f32 v45, v5;
	v45 =	vld.idx.msk [tilespmem:v41+s14+$0x0], $0xffff  }
0x145: {  	v12 =	vunpack.i.l.bf16.f32 v12;
	v6 =	vadd.f32 v43, v6;
	v43 =	vadd.s32 v3, v34;
	v41 =	vld.idx.msk [tilespmem:v41+s15+$0x0], $0xffff  }
0x146: {  	v7 =	vadd.f32 v12, v7;
	v53 =	vadd.bf16 v51, v49;
	v49 =	vmul.bf16 v17, v16;
	v16 =	vld.idx.msk [tilespmem:v52+s15+$0x0], $0xffff  }
0x147: {  	v23 =	vunpack.i.u.bf16.f32 v23;
	v44 =	vadd.s32 v3, v62;
	v12 =	vadd.bf16 v54, v42;
	v17 =	vld.idx.msk [tilespmem:v50+s15+$0x0], $0xffff  }
0x148: {  	v0 =	vadd.bf16 v18, v0;
	v4 =	vadd.f32 v23, v4;
	v51 =	vadd.s32 v3, v37;
	v23 =	vld.idx.msk [tilespmem:v36+s14+$0x0], $0xffff  }
0x149: {  	v9 =	vadd.bf16 v9, v11;
	v8 =	vmul.bf16 v8, v35;
	v36 =	vld.idx.msk [tilespmem:v36+s15+$0x0], $0xffff;
	v54 =	vunpack.i.u.bf16.f32 v12  }
0x14a: {  	v12 =	vunpack.i.l.bf16.f32 v12;
	v48 =	vld.idx.msk [tilespmem:v43+s14+$0x0], $0xffff;
	v6 =	vadd.f32 v54, v6;
	v54 =	vadd.s32 v3, v63  }
0x14b: {  	v15 =	vmul.bf16 v15, v24;
	v18 =	vunpack.i.u.bf16.f32 v53;
	v7 =	vadd.f32 v12, v7;
	v12 =	vld.idx.msk [tilespmem:v43+s15+$0x0], $0xffff  }
0x14c: {  	v47 =	vunpack.i.l.bf16.f32 v9;
	v4 =	vadd.f32 v18, v4;
	v18 =	vld.idx.msk [tilespmem:v44+s14+$0x0], $0xffff  }
0x14d: {  	v9 =	vunpack.i.u.bf16.f32 v9;
	v8 =	vadd.bf16 v15, v8;
	v42 =	vunpack.i.l.bf16.f32 v53;
	v35 =	vld.idx.msk [tilespmem:v51+s14+$0x0], $0xffff  }
0x14e: {  	v53 =	vunpack.i.l.bf16.f32 v0;
	v0 =	vunpack.i.u.bf16.f32 v0;
	v43 =	vadd.s32 v3, v39;
	v24 =	vld.idx.msk [tilespmem:v51+s15+$0x0], $0xffff  }
0x14f: {  	v5 =	vadd.f32 v42, v5;
	v10 =	vmul.bf16 v19, v10;
	v7 =	vadd.f32 v53, v7;
	v51 =	vld.idx.msk [tilespmem:v54+s14+$0x0], $0xffff  }
0x150: {  	v19 =	vmul.bf16 v41, v45;
	v23 =	vmul.bf16 v36, v23;
	v53 =	vld.idx.msk [tilespmem:v54+s15+$0x0], $0xffff;
	v54 =	vadd.s32 v3, v1  }
0x151: {  	v13 =	vmul.bf16 v14, v13;
	v11 =	vld.idx.msk [tilespmem:v44+s15+$0x0], $0xffff;
	v0 =	vadd.f32 v0, v6;
	v5 =	vadd.f32 v47, v5  }
0x152: {  	v6 =	vld.idx.msk [tilespmem:v52+s14+$0x0], $0xffff;
	v52 =	vunpack.i.l.bf16.f32 v8;
	v45 =	vadd.bf16 v23, v19;
	v23 =	vadd.s32 v3, v2  }
0x153: {  	v4 =	vadd.f32 v9, v4;
	v8 =	vunpack.i.u.bf16.f32 v8;
	v10 =	vadd.bf16 v10, v49;
	v42 =	vld.idx.msk [tilespmem:v43+s14+$0x0], $0xffff  }
0x154: {  	v14 =	vmul.bf16 v17, v46;
	v7 =	vadd.f32 v52, v7;
	v0 =	vadd.f32 v8, v0;
	v19 =	vld.idx.msk [tilespmem:v43+s15+$0x0], $0xffff  }
0x155: {  	v12 =	vmul.bf16 v12, v48;
	v8 =	vunpack.i.u.bf16.f32 v10;
	v10 =	vunpack.i.l.bf16.f32 v10;
	v48 =	vld.idx.msk [tilespmem:v54+s14+$0x0], $0xffff  }
0x156: {  	v11 =	vmul.bf16 v11, v18;
	v5 =	vadd.f32 v10, v5;
	v4 =	vadd.f32 v8, v4;
	v49 =	vld.idx.msk [tilespmem:v54+s15+$0x0], $0xffff  }
0x157: {  	v12 =	vadd.bf16 v13, v12;
	v8 =	vunpack.i.u.bf16.f32 v45;
	v18 =	vmul.bf16 v24, v35;
	v24 =	vld.idx.msk [tilespmem:v23+s14+$0x0], $0xffff  }
0x158: {  	v47 =	vunpack.i.l.bf16.f32 v45;
	v6 =	vmul.bf16 v16, v6;
	v0 =	vadd.f32 v8, v0;
	v8 =	vld.idx.msk [tilespmem:v23+s15+$0x0], $0xffff  }
0x159: {  	v7 =	vadd.f32 v47, v7;
	v50 =	vunpack.i.l.bf16.f32 v12;
	v11 =	vadd.bf16 v18, v11  }
0x15a: {  	v12 =	vunpack.i.u.bf16.f32 v12;
	v5 =	vadd.f32 v50, v5;
	v51 =	vmul.bf16 v53, v51  }
0x15b: {  	v9 =	vmul.bf16 v19, v42;
	v4 =	vadd.f32 v12, v4;
	v52 =	vunpack.i.l.bf16.f32 v11  }
0x15c: {  	v11 =	vunpack.i.u.bf16.f32 v11;
	v6 =	vadd.bf16 v51, v6;
	v7 =	vadd.f32 v52, v7  }
0x15d: {  	p1 =	por p0, p0;
	v9 =	vadd.bf16 v14, v9;
	v10 =	vmul.bf16 v49, v48;
	v8 =	vmul.bf16 v8, v24  }
.Ltmp2:
0x15e: {  	v0 =	vadd.f32 v11, v0;
	v53 =	vunpack.i.l.bf16.f32 v6;
	v6 =	vunpack.i.u.bf16.f32 v6;
	(pc) =	sbr.rel @p1 .LBB2_8-.Ltmp2, $4  }
0x15f: {  	v54 =	vunpack.i.l.bf16.f32 v9;
	v5 =	vadd.f32 v53, v5;
	v8 =	vadd.bf16 v8, v10  }
0x160: {  	v4 =	vadd.f32 v6, v4;
	v6 =	vunpack.i.u.bf16.f32 v9;
	v7 =	vadd.f32 v54, v7  }
0x161: {  	v6 =	vadd.f32 v6, v0;
	v0 =	vunpack.i.u.bf16.f32 v8;
	v8 =	vunpack.i.l.bf16.f32 v8  }
0x162: {  	p0 =	por $0x0, $0x0;
	v3 =	vadd.s32 $0x20, v3;
	v5 =	vadd.f32 v8, v5;
	v4 =	vadd.f32 v0, v4  }
0x163: {  	v63 =	vld [tilespmem:$0x1FC50];
	_ =	sdelay $0x1  }
0x164: {  	s23 =	sadd.s32 $0x1, s23  }
0x165: {  	p0 =	sne.s32 s23, $0x5  }
.Ltmp3:
0x166: {  	v0 =	vadd.f32 v5, v7;
	v1 =	vadd.f32 v4, v6;
	(pc) =	sbr.rel @p0 .LBB2_7-.Ltmp3, $3  }
0x167: {  	_ = 	snop  }
0x168: {  	v0 =	vadd.f32 v1, v0;
	_ =	sdelay $0x1  }
0x169: {  	[tilespmem:v63+s24+$0x0 ss:$0x1] =	vst.idx.msk $0xffff, v0  }
0x16a: {  	s22 =	sadd.s32 $0x1, s22  }
0x16b: {  	p0 =	sne.s32 s22, $0x3E  }
.Ltmp4:
0x16c: {  	_ = 	snop;
	(pc) =	sbr.rel @p0 .LBB2_2-.Ltmp4, $1  }
0x16d: {  	_ =	sdelay $0x3  }
0x16e: {  	_ =	swait.ge [sflag:s16], $0x1400  }
0x16f: {  	[sflag:s16] =	ssyncset.done $0x0  }
0x170: {  	[sflag:s16] =	ssyncadd.s32 $0xFFFFEC00  }
0x171: {  	_ =	swait.ge [sflag:s17], $0x1400  }
0x172: {  	[sflag:s17] =	ssyncset.done $0x0  }
0x173: {  	s22 =	simm.s32 $0x0;
	[sflag:s17] =	ssyncadd.s32 $0xFFFFEC00  }
.LBB2_12:
0x174: {  	v1 =	vld [tilespmem:$0x1FD50];
	_ =	sdelay $0x1  }
0x175: {  	s23 =	sshll.u32 s22, $0x4  }
0x176: {  	v0 =	vmov s23  }
0x177: {  	v0 =	vshll.u32 v0, $0x6  }
0x178: {  	v2 =	vor.u32 v1, v0;
	v0 =	vlaneseq.u32  }
0x179: {  	v0 =	vor.u32 v0, v2  }
0x17a: {  	[tilespmem:$0x1FBD0] =	vst v0;
	v0 =	vld [tilespmem:$0x1FD60];
	_ =	sdelay $0x4  }
0x17b: {  	v0 =	vor.u32 v0, v2  }
0x17c: {  	[tilespmem:$0x1FBE0] =	vst v0;
	v0 =	vld [tilespmem:$0x1FD70];
	_ =	sdelay $0x4  }
0x17d: {  	v0 =	vor.u32 v0, v2  }
0x17e: {  	[tilespmem:$0x1FBF0] =	vst v0;
	v0 =	vld [tilespmem:$0x1FD80];
	_ =	sdelay $0x4  }
0x17f: {  	v0 =	vor.u32 v0, v2  }
0x180: {  	[tilespmem:$0x1FC00] =	vst v0;
	v0 =	vld [tilespmem:$0x1FD90];
	_ =	sdelay $0x4  }
0x181: {  	v20 =	vor.u32 v0, v2;
	v0 =	vld [tilespmem:$0x1FDA0];
	_ =	sdelay $0x4  }
0x182: {  	v21 =	vor.u32 v0, v2;
	v0 =	vld [tilespmem:$0x1FDB0];
	_ =	sdelay $0x4  }
0x183: {  	v22 =	vor.u32 v0, v2;
	v0 =	vld [tilespmem:$0x1FDC0];
	_ =	sdelay $0x4  }
0x184: {  	v25 =	vor.u32 v0, v2;
	v0 =	vld [tilespmem:$0x1FDD0];
	_ =	sdelay $0x4  }
0x185: {  	v26 =	vor.u32 v0, v2;
	v0 =	vld [tilespmem:$0x1FDE0];
	_ =	sdelay $0x4  }
0x186: {  	v27 =	vor.u32 v0, v2;
	v0 =	vld [tilespmem:$0x1FDF0];
	_ =	sdelay $0x4  }
0x187: {  	v28 =	vor.u32 v0, v2;
	v0 =	vld [tilespmem:$0x1FE00];
	_ =	sdelay $0x4  }
0x188: {  	v29 =	vor.u32 v0, v2;
	v0 =	vld [tilespmem:$0x1FE10];
	_ =	sdelay $0x4  }
0x189: {  	v54 =	vor.u32 v0, v2;
	v0 =	vld [tilespmem:$0x1FE20];
	_ =	sdelay $0x4  }
0x18a: {  	v30 =	vor.u32 v0, v2;
	v0 =	vld [tilespmem:$0x1FE30];
	_ =	sdelay $0x4  }
0x18b: {  	v31 =	vor.u32 v0, v2;
	v0 =	vld [tilespmem:$0x1FE40];
	_ =	sdelay $0x4  }
0x18c: {  	v55 =	vor.u32 v0, v2;
	v0 =	vld [tilespmem:$0x1FE50];
	_ =	sdelay $0x4  }
0x18d: {  	v32 =	vor.u32 v0, v2;
	v0 =	vld [tilespmem:$0x1FE80];
	_ =	sdelay $0x4  }
0x18e: {  	v56 =	vor.u32 v0, v2;
	v0 =	vld [tilespmem:$0x1FF10];
	_ =	sdelay $0x4  }
0x18f: {  	v57 =	vor.u32 v0, v2;
	v0 =	vld [tilespmem:$0x1FF40];
	_ =	sdelay $0x4  }
0x190: {  	v33 =	vor.u32 v0, v2;
	v0 =	vld [tilespmem:$0x1FFB0];
	_ =	sdelay $0x4  }
0x191: {  	v58 =	vor.u32 v0, v2;
	v0 =	vld [tilespmem:$0x1FFE0];
	_ =	sdelay $0x4  }
0x192: {  	v59 =	vor.u32 v0, v2;
	v0 =	vld [tilespmem:$0x1FCA0];
	_ =	sdelay $0x4  }
0x193: {  	v34 =	vor.u32 v0, v2;
	v0 =	vld [tilespmem:$0x1FCB0];
	_ =	sdelay $0x4  }
0x194: {  	v60 =	vor.u32 v0, v2;
	v0 =	vld [tilespmem:$0x1FCC0];
	_ =	sdelay $0x4  }
0x195: {  	v61 =	vor.u32 v0, v2;
	v0 =	vld [tilespmem:$0x1FCD0];
	_ =	sdelay $0x4  }
0x196: {  	v37 =	vor.u32 v0, v2;
	v0 =	vld [tilespmem:$0x1FCE0];
	_ =	sdelay $0x4  }
0x197: {  	v38 =	vor.u32 v0, v2;
	v0 =	vld [tilespmem:$0x1FCF0];
	_ =	sdelay $0x4  }
0x198: {  	v62 =	vor.u32 v0, v2;
	v0 =	vld [tilespmem:$0x1FD00];
	_ =	sdelay $0x4  }
0x199: {  	v39 =	vor.u32 v0, v2;
	v0 =	vld [tilespmem:$0x1FD10];
	_ =	sdelay $0x4  }
0x19a: {  	v40 =	vor.u32 v0, v2;
	v0 =	vld [tilespmem:$0x1FD20];
	_ =	sdelay $0x4  }
0x19b: {  	v1 =	vor.u32 v0, v2;
	v0 =	vld [tilespmem:$0x1FD30];
	_ =	sdelay $0x3  }
0x19c: {  	v4 =	vimm.f32 $0.0e+00;
	v3 =	vimm.s32 $0x0;
	v6 =	vimm.f32 $0.0e+00  }
0x19d: {  	p0 =	por $0x1, $0x1;
	v5 =	vimm.f32 $0.0e+00;
	v7 =	vimm.f32 $0.0e+00;
	v2 =	vor.u32 v0, v2  }
.LBB2_13:
0x19e: {  	v0 =	vld [tilespmem:$0x1FBD0]  }
0x19f: {  	v14 =	vadd.s32 v3, v20;
	_ =	sdelay $0x1  }
0x1a0: {  	v16 =	vadd.s32 v3, v21;
	_ =	sdelay $0x1  }
0x1a1: {  	v24 =	vadd.s32 v3, v22;
	v8 =	vadd.s32 v3, v0;
	v0 =	vld [tilespmem:$0x1FBE0]  }
0x1a2: {  	v35 =	vld.idx.msk [tilespmem:v14+s12+$0x0], $0xffff  }
0x1a3: {  	v36 =	vadd.s32 v3, v25;
	v14 =	vld.idx.msk [tilespmem:v14+s13+$0x0], $0xffff  }
0x1a4: {  	v41 =	vld.idx.msk [tilespmem:v16+s12+$0x0], $0xffff  }
0x1a5: {  	v42 =	vadd.s32 v3, v26;
	v16 =	vld.idx.msk [tilespmem:v16+s13+$0x0], $0xffff  }
0x1a6: {  	v43 =	vld.idx.msk [tilespmem:v24+s12+$0x0], $0xffff  }
0x1a7: {  	v44 =	vadd.s32 v3, v27;
	v24 =	vld.idx.msk [tilespmem:v24+s13+$0x0], $0xffff  }
0x1a8: {  	v45 =	vld.idx.msk [tilespmem:v36+s12+$0x0], $0xffff  }
0x1a9: {  	v46 =	vadd.s32 v3, v28;
	v36 =	vld.idx.msk [tilespmem:v36+s13+$0x0], $0xffff  }
0x1aa: {  	v47 =	vld.idx.msk [tilespmem:v42+s12+$0x0], $0xffff  }
0x1ab: {  	v42 =	vld.idx.msk [tilespmem:v42+s13+$0x0], $0xffff  }
0x1ac: {  	v48 =	vadd.s32 v3, v29;
	v49 =	vld.idx.msk [tilespmem:v44+s12+$0x0], $0xffff  }
0x1ad: {  	v44 =	vld.idx.msk [tilespmem:v44+s13+$0x0], $0xffff  }
0x1ae: {  	v51 =	vld.idx.msk [tilespmem:v46+s12+$0x0], $0xffff  }
0x1af: {  	v46 =	vld.idx.msk [tilespmem:v46+s13+$0x0], $0xffff  }
0x1b0: {  	v52 =	vadd.s32 v3, v30;
	v9 =	vadd.s32 v3, v0;
	v0 =	vld [tilespmem:$0x1FBF0]  }
0x1b1: {  	v53 =	vld.idx.msk [tilespmem:v48+s12+$0x0], $0xffff  }
0x1b2: {  	v48 =	vld.idx.msk [tilespmem:v48+s13+$0x0], $0xffff  }
0x1b3: {  	v11 =	vld.idx.msk [tilespmem:v8+s12+$0x0], $0xffff  }
0x1b4: {  	v63 =	vadd.s32 v3, v31;
	v8 =	vld.idx.msk [tilespmem:v8+s13+$0x0], $0xffff  }
0x1b5: {  	v18 =	vld.idx.msk [tilespmem:v52+s12+$0x0], $0xffff;
	v10 =	vadd.s32 v3, v0  }
0x1b6: {  	v0 =	vld [tilespmem:$0x1FC00]  }
0x1b7: {  	v50 =	vadd.s32 v3, v54;
	v13 =	vld.idx.msk [tilespmem:v9+s12+$0x0], $0xffff  }
0x1b8: {  	v9 =	vld.idx.msk [tilespmem:v9+s13+$0x0], $0xffff  }
0x1b9: {  	v17 =	vadd.s32 v3, v55;
	v8 =	vmul.bf16 v8, v11;
	v11 =	vld.idx.msk [tilespmem:v63+s12+$0x0], $0xffff  }
0x1ba: {  	v15 =	vld.idx.msk [tilespmem:v10+s12+$0x0], $0xffff  }
0x1bb: {  	v12 =	vadd.s32 v3, v0;
	v10 =	vld.idx.msk [tilespmem:v10+s13+$0x0], $0xffff  }
0x1bc: {  	v0 =	vld.idx.msk [tilespmem:v50+s12+$0x0], $0xffff  }
0x1bd: {  	v9 =	vmul.bf16 v9, v13;
	v13 =	vld.idx.msk [tilespmem:v63+s13+$0x0], $0xffff  }
0x1be: {  	v63 =	vmul.bf16 v14, v35;
	v14 =	vld.idx.msk [tilespmem:v17+s13+$0x0], $0xffff  }
0x1bf: {  	v19 =	vadd.s32 v3, v32;
	v8 =	vadd.bf16 v9, v8;
	v9 =	vld.idx.msk [tilespmem:v17+s12+$0x0], $0xffff  }
0x1c0: {  	v42 =	vmul.bf16 v42, v47;
	v47 =	vadd.s32 v3, v60;
	v23 =	vld.idx.msk [tilespmem:v12+s12+$0x0], $0xffff  }
0x1c1: {  	v12 =	vld.idx.msk [tilespmem:v12+s13+$0x0], $0xffff  }
0x1c2: {  	v50 =	vld.idx.msk [tilespmem:v50+s13+$0x0], $0xffff  }
0x1c3: {  	v52 =	vld.idx.msk [tilespmem:v52+s13+$0x0], $0xffff;
	v10 =	vmul.bf16 v10, v15;
	v15 =	vadd.s32 v3, v56  }
0x1c4: {  	v16 =	vmul.bf16 v16, v41;
	v35 =	vld.idx.msk [tilespmem:v19+s12+$0x0], $0xffff  }
0x1c5: {  	v17 =	vadd.s32 v3, v57;
	v11 =	vmul.bf16 v13, v11;
	v13 =	vld.idx.msk [tilespmem:v47+s12+$0x0], $0xffff;
	v9 =	vmul.bf16 v14, v9  }
0x1c6: {  	v14 =	vld.idx.msk [tilespmem:v47+s13+$0x0], $0xffff;
	v12 =	vmul.bf16 v12, v23;
	v23 =	vunpack.i.u.bf16.f32 v8;
	v8 =	vunpack.i.l.bf16.f32 v8  }
0x1c7: {  	v0 =	vmul.bf16 v50, v0;
	v50 =	vadd.s32 v3, v40;
	v7 =	vadd.f32 v8, v7;
	v8 =	vld.idx.msk [tilespmem:v19+s13+$0x0], $0xffff  }
0x1c8: {  	v6 =	vadd.f32 v23, v6;
	v19 =	vadd.s32 v3, v33;
	v23 =	vmul.bf16 v24, v43;
	v24 =	vld.idx.msk [tilespmem:v15+s12+$0x0], $0xffff  }
0x1c9: {  	v36 =	vmul.bf16 v36, v45;
	v41 =	vadd.s32 v3, v58;
	v15 =	vld.idx.msk [tilespmem:v15+s13+$0x0], $0xffff;
	v10 =	vadd.bf16 v12, v10  }
0x1ca: {  	v18 =	vmul.bf16 v52, v18;
	v52 =	vadd.s32 v3, v38;
	v12 =	vadd.bf16 v16, v63;
	v16 =	vld.idx.msk [tilespmem:v17+s12+$0x0], $0xffff  }
0x1cb: {  	v17 =	vld.idx.msk [tilespmem:v17+s13+$0x0], $0xffff;
	v23 =	vadd.bf16 v36, v23;
	v63 =	vunpack.i.u.bf16.f32 v10;
	v10 =	vunpack.i.l.bf16.f32 v10  }
0x1cc: {  	v4 =	vadd.f32 v63, v4;
	v63 =	vmul.bf16 v44, v49;
	v49 =	vmul.bf16 v46, v51;
	v46 =	vld.idx.msk [tilespmem:v50+s12+$0x0], $0xffff  }
0x1cd: {  	v5 =	vadd.f32 v10, v5;
	v10 =	vld.idx.msk [tilespmem:v19+s12+$0x0], $0xffff  }
0x1ce: {  	v36 =	vadd.s32 v3, v59;
	v45 =	vunpack.i.l.bf16.f32 v23;
	v19 =	vld.idx.msk [tilespmem:v19+s13+$0x0], $0xffff  }
0x1cf: {  	v43 =	vunpack.i.u.bf16.f32 v12;
	v51 =	vmul.bf16 v48, v53;
	v5 =	vadd.f32 v45, v5;
	v45 =	vld.idx.msk [tilespmem:v41+s12+$0x0], $0xffff  }
0x1d0: {  	v12 =	vunpack.i.l.bf16.f32 v12;
	v6 =	vadd.f32 v43, v6;
	v43 =	vadd.s32 v3, v34;
	v41 =	vld.idx.msk [tilespmem:v41+s13+$0x0], $0xffff  }
0x1d1: {  	v7 =	vadd.f32 v12, v7;
	v53 =	vadd.bf16 v51, v49;
	v49 =	vmul.bf16 v17, v16;
	v16 =	vld.idx.msk [tilespmem:v52+s13+$0x0], $0xffff  }
0x1d2: {  	v23 =	vunpack.i.u.bf16.f32 v23;
	v44 =	vadd.s32 v3, v61;
	v12 =	vadd.bf16 v63, v42;
	v17 =	vld.idx.msk [tilespmem:v50+s13+$0x0], $0xffff  }
0x1d3: {  	v0 =	vadd.bf16 v18, v0;
	v4 =	vadd.f32 v23, v4;
	v51 =	vadd.s32 v3, v37;
	v23 =	vld.idx.msk [tilespmem:v36+s12+$0x0], $0xffff  }
0x1d4: {  	v9 =	vadd.bf16 v9, v11;
	v8 =	vmul.bf16 v8, v35;
	v36 =	vld.idx.msk [tilespmem:v36+s13+$0x0], $0xffff;
	v63 =	vunpack.i.u.bf16.f32 v12  }
0x1d5: {  	v12 =	vunpack.i.l.bf16.f32 v12;
	v48 =	vld.idx.msk [tilespmem:v43+s12+$0x0], $0xffff;
	v6 =	vadd.f32 v63, v6;
	v63 =	vadd.s32 v3, v62  }
0x1d6: {  	v15 =	vmul.bf16 v15, v24;
	v18 =	vunpack.i.u.bf16.f32 v53;
	v7 =	vadd.f32 v12, v7;
	v12 =	vld.idx.msk [tilespmem:v43+s13+$0x0], $0xffff  }
0x1d7: {  	v47 =	vunpack.i.l.bf16.f32 v9;
	v4 =	vadd.f32 v18, v4;
	v18 =	vld.idx.msk [tilespmem:v44+s12+$0x0], $0xffff  }
0x1d8: {  	v9 =	vunpack.i.u.bf16.f32 v9;
	v8 =	vadd.bf16 v15, v8;
	v42 =	vunpack.i.l.bf16.f32 v53;
	v35 =	vld.idx.msk [tilespmem:v51+s12+$0x0], $0xffff  }
0x1d9: {  	v53 =	vunpack.i.l.bf16.f32 v0;
	v0 =	vunpack.i.u.bf16.f32 v0;
	v43 =	vadd.s32 v3, v39;
	v24 =	vld.idx.msk [tilespmem:v51+s13+$0x0], $0xffff  }
0x1da: {  	v5 =	vadd.f32 v42, v5;
	v10 =	vmul.bf16 v19, v10;
	v7 =	vadd.f32 v53, v7;
	v51 =	vld.idx.msk [tilespmem:v63+s12+$0x0], $0xffff  }
0x1db: {  	v19 =	vmul.bf16 v41, v45;
	v23 =	vmul.bf16 v36, v23;
	v53 =	vld.idx.msk [tilespmem:v63+s13+$0x0], $0xffff;
	v63 =	vadd.s32 v3, v1  }
0x1dc: {  	v13 =	vmul.bf16 v14, v13;
	v11 =	vld.idx.msk [tilespmem:v44+s13+$0x0], $0xffff;
	v0 =	vadd.f32 v0, v6;
	v5 =	vadd.f32 v47, v5  }
0x1dd: {  	v6 =	vld.idx.msk [tilespmem:v52+s12+$0x0], $0xffff;
	v52 =	vunpack.i.l.bf16.f32 v8;
	v45 =	vadd.bf16 v23, v19;
	v23 =	vadd.s32 v3, v2  }
0x1de: {  	v4 =	vadd.f32 v9, v4;
	v8 =	vunpack.i.u.bf16.f32 v8;
	v10 =	vadd.bf16 v10, v49;
	v42 =	vld.idx.msk [tilespmem:v43+s12+$0x0], $0xffff  }
0x1df: {  	v14 =	vmul.bf16 v17, v46;
	v7 =	vadd.f32 v52, v7;
	v0 =	vadd.f32 v8, v0;
	v19 =	vld.idx.msk [tilespmem:v43+s13+$0x0], $0xffff  }
0x1e0: {  	v12 =	vmul.bf16 v12, v48;
	v8 =	vunpack.i.u.bf16.f32 v10;
	v10 =	vunpack.i.l.bf16.f32 v10;
	v48 =	vld.idx.msk [tilespmem:v63+s12+$0x0], $0xffff  }
0x1e1: {  	v11 =	vmul.bf16 v11, v18;
	v5 =	vadd.f32 v10, v5;
	v4 =	vadd.f32 v8, v4;
	v49 =	vld.idx.msk [tilespmem:v63+s13+$0x0], $0xffff  }
0x1e2: {  	v12 =	vadd.bf16 v13, v12;
	v8 =	vunpack.i.u.bf16.f32 v45;
	v18 =	vmul.bf16 v24, v35;
	v24 =	vld.idx.msk [tilespmem:v23+s12+$0x0], $0xffff  }
0x1e3: {  	v47 =	vunpack.i.l.bf16.f32 v45;
	v6 =	vmul.bf16 v16, v6;
	v0 =	vadd.f32 v8, v0;
	v8 =	vld.idx.msk [tilespmem:v23+s13+$0x0], $0xffff  }
0x1e4: {  	v7 =	vadd.f32 v47, v7;
	v50 =	vunpack.i.l.bf16.f32 v12;
	v11 =	vadd.bf16 v18, v11  }
0x1e5: {  	v12 =	vunpack.i.u.bf16.f32 v12;
	v5 =	vadd.f32 v50, v5;
	v51 =	vmul.bf16 v53, v51  }
0x1e6: {  	v9 =	vmul.bf16 v19, v42;
	v4 =	vadd.f32 v12, v4;
	v52 =	vunpack.i.l.bf16.f32 v11  }
0x1e7: {  	v11 =	vunpack.i.u.bf16.f32 v11;
	v6 =	vadd.bf16 v51, v6;
	v7 =	vadd.f32 v52, v7  }
0x1e8: {  	p1 =	por p0, p0;
	v9 =	vadd.bf16 v14, v9;
	v10 =	vmul.bf16 v49, v48;
	v8 =	vmul.bf16 v8, v24  }
.Ltmp5:
0x1e9: {  	v0 =	vadd.f32 v11, v0;
	v53 =	vunpack.i.l.bf16.f32 v6;
	v6 =	vunpack.i.u.bf16.f32 v6;
	(pc) =	sbr.rel @p1 .LBB2_13-.Ltmp5, $4  }
0x1ea: {  	v63 =	vunpack.i.l.bf16.f32 v9;
	v5 =	vadd.f32 v53, v5;
	v8 =	vadd.bf16 v8, v10  }
0x1eb: {  	v4 =	vadd.f32 v6, v4;
	v6 =	vunpack.i.u.bf16.f32 v9;
	v7 =	vadd.f32 v63, v7  }
0x1ec: {  	v6 =	vadd.f32 v6, v0;
	v0 =	vunpack.i.u.bf16.f32 v8;
	v8 =	vunpack.i.l.bf16.f32 v8  }
0x1ed: {  	p0 =	por $0x0, $0x0;
	v3 =	vadd.s32 $0x20, v3;
	v5 =	vadd.f32 v8, v5;
	v4 =	vadd.f32 v0, v4  }
0x1ee: {  	s22 =	sadd.s32 $0x1, s22  }
0x1ef: {  	p0 =	sne.s32 s22, $0x5  }
.Ltmp6:
0x1f0: {  	v0 =	vadd.f32 v5, v7;
	v1 =	vadd.f32 v4, v6;
	(pc) =	sbr.rel @p0 .LBB2_12-.Ltmp6, $3  }
0x1f1: {  	_ = 	snop  }
0x1f2: {  	v0 =	vadd.f32 v1, v0;
	_ =	sdelay $0x1  }
0x1f3: {  	[tilespmem:s23+$0x74E0] =	vst v0  }
0x1f4: {  	s21 =	sadd.s32 $0x1, s21  }
0x1f5: {  	p0 =	sne.s32 s21, s8  }
.Ltmp7:
0x1f6: {  	_ = 	snop;
	(pc) =	sbr.rel @p0 .LBB2_1-.Ltmp7, $4  }
0x1f7: {  	[hbm4b:s7+s2] =	stream.linear.scatter [tilespmem:s20], [sflag:$0x5], $0x2710, $0x38;
	[tilespmem:$0xC530] =	vst v63  }
0x1f8: {  	_ =	swait.ge [sflag:s9], $0x2710  }
0x1f9: {  	[sflag:s9] =	ssyncset.done $0x0  }
0x1fa: {  	[sflag:s9] =	ssyncadd.s32 $0xFFFFD8F0  }
0x1fb: {  	_ =	sfence.sel $0x180000  }
0x1fc: {  	[bflag:$0x0] =	sbarrier.arrive $0xFFFF  }
0x1fd: {  	p0 =	sne.s32 s0, $0x0;
	_ =	strace $0x90000047  }
0x1fe: {  	s0 =	sadd.s32 @!p0 $0x100000, s1;
	[bflag:$0x2] =	sbarrier.arrive $0xFFFF  }
0x1ff: {  	[sflag:s0] =	ssyncadd.tile.s32 @!p0 $0x1;
	_ =	shalt  }
.Lfunc_end2:
_tile_overlayer_lowered:
.L_overlay_start_2:
0x200: {  	(tag) =	ssettag $0x2  }
0x201: {  	s0 =	rddreg [dreg:$0x0];
	s2 =	stileid.u32  }
0x202: {  	s1 =	rddreg [dreg:$0x1];
	p0 =	sne.s32 s2, $0x0  }
0x203: {  	s3 =	rddreg [dreg:$0x2];
	[bflag:$0x3] =	sbarrier.arrive $0xFFFF;
	s2 =	simm.s32 @!p0 $0x1C05  }
0x204: {  	[timem:s3], [sflag:s2] =	dma.local @!p0 [hbm:s0], s1  }
0x205: {  	s0 =	simm.s32 @!p0 $0x5  }
0x206: {  	_ =	swait.ge @!p0 [sflag:s0], s1  }
0x207: {  	s1 =	ssub.s32 @!p0 $0x0, s1;
	[sflag:s0] =	ssyncset.done @!p0 $0x0  }
0x208: {  	[sflag:s0] =	ssyncadd.s32 @!p0 s1  }
0x209: {  	[bflag:$0x3] =	sbarrier.arrive $0xFFFF  }
0x20a: {  	_ =	shalt  }

</sc_bundles>
